<compile_context>
chip_gen: v7x
topology: tpu7x:2x2x1
jax: 0.10.2.dev20260603
libtpu: 0.0.44.dev20260713+nightly
codegen_flags: <defaults>
</compile_context>

<pallas_src>
import functools
import jax
import jax.numpy as jnp
from jax import lax
from jax.experimental import pallas as pl
from jax.experimental.pallas import tpu as pltpu
from jax.experimental.pallas import tpu_sc as plsc

VOCAB = 100000
EMBED_DIM = 300
BATCH = 4096

LO_SIZE = 49920
HI_BASE = LO_SIZE
HI_SIZE = 49920
TAIL_BASE = HI_BASE + HI_SIZE
TAIL_SIZE = VOCAB - TAIL_BASE

NUM_CORES = 2
NUM_SUBCORES = 16
LANES = 16
NUM_WORKERS = NUM_CORES * NUM_SUBCORES
ROWS_PER_W = 10
N_CHUNKS = BATCH // LANES

_mesh = plsc.VectorSubcoreMesh(core_axis_name="c", subcore_axis_name="s")


@functools.partial(
    pl.kernel,
    mesh=_mesh,
    out_type=jax.ShapeDtypeStruct((EMBED_DIM, BATCH), jnp.float32),
    scratch_types=[
        pltpu.VMEM((BATCH,), jnp.int32),
        pltpu.VMEM((BATCH + LANES,), jnp.int32),
        pltpu.VMEM((BATCH + LANES,), jnp.int32),
        pltpu.VMEM((LO_SIZE,), jnp.float32),
        pltpu.VMEM((HI_SIZE,), jnp.float32),
        pltpu.VMEM((TAIL_SIZE,), jnp.float32),
        pltpu.VMEM((BATCH,), jnp.float32),
        pltpu.VMEM((BATCH,), jnp.float32),
        pltpu.SemaphoreType.DMA,
        pltpu.SemaphoreType.DMA,
        pltpu.SemaphoreType.DMA,
        pltpu.SemaphoreType.DMA,
        pltpu.SemaphoreType.DMA,
    ],
    compiler_params=pltpu.CompilerParams(
        use_tc_tiling_on_sc=True, needs_layout_passes=False
    ),
)
def _gather_t_kernel(idx_hbm, tab_t_hbm, tail_t_hbm, out_t_hbm,
                     idx_v, part_val, part_pos, row_a, row_b, tail_v,
                     orow_a, orow_b, sem_a, sem_b, sem_t, sem_oa, sem_ob):
    wid = lax.axis_index("s") * NUM_CORES + lax.axis_index("c")
    pltpu.sync_copy(idx_hbm, idx_v)

    def piece(j, base, size, row_v, sem):
        return pltpu.make_async_copy(
            tab_t_hbm.at[j].at[pl.ds(base, size)], row_v, sem
        )

    def tail_piece(j):
        return pltpu.make_async_copy(tail_t_hbm.at[j], tail_v, sem_t)

    piece(wid, 0, LO_SIZE, row_a, sem_a).start()
    piece(wid, HI_BASE, HI_SIZE, row_b, sem_b).start()
    tail_piece(wid).start()

    iota = lax.iota(jnp.int32, LANES)

    def part_pass(lo_bound, hi_bound):
        def step(c, cnt):
            ivec = idx_v[pl.ds(c * LANES, LANES)]
            pvec = c * LANES + iota
            m = (ivec >= lo_bound) & (ivec < hi_bound)
            plsc.store_compressed(part_val.at[pl.ds(cnt, LANES)],
                                  ivec - lo_bound, mask=m)
            plsc.store_compressed(part_pos.at[pl.ds(cnt, LANES)], pvec, mask=m)
            return cnt + plsc.all_reduce_population_count(m)[0]
        return step

    n_lo = lax.fori_loop(0, N_CHUNKS, part_pass(0, HI_BASE), 0)
    n_lohi = lax.fori_loop(0, N_CHUNKS, part_pass(HI_BASE, TAIL_BASE), n_lo)
    lax.fori_loop(0, N_CHUNKS, part_pass(TAIL_BASE, VOCAB), n_lohi)

    def gather_span(row_v, orow_v, c_from, c_to, lane_from, lane_to):
        def chunk(c, carry):
            base = c * LANES
            vals = part_val[pl.ds(base, LANES)]
            pos = part_pos[pl.ds(base, LANES)]
            lane = base + iota
            m = (lane >= lane_from) & (lane < lane_to)
            g = plsc.load_gather(row_v, [vals], mask=m)
            plsc.store_scatter(orow_v, [pos], g, mask=m)
            return carry
        lax.fori_loop(c_from, c_to, chunk, 0)

    def out_wait(orow_v, sem):
        pltpu.make_async_copy(orow_v, out_t_hbm.at[0], sem).wait()

    def body(i, carry):
        for par in (0, 1):
            t = 2 * i + par
            j = t * NUM_WORKERS + wid
            jn = j + NUM_WORKERS
            orow_v = orow_a if par == 0 else orow_b
            sem_o = sem_oa if par == 0 else sem_ob

            @pl.when(i >= 1)
            def _():
                out_wait(orow_v, sem_o)

            @pl.when(j < EMBED_DIM)
            def _():
                piece(j, 0, LO_SIZE, row_a, sem_a).wait()
                gather_span(row_a, orow_v, 0, (n_lo + LANES - 1) // LANES,
                            0, n_lo)

            @pl.when(jn < EMBED_DIM)
            def _():
                piece(jn, 0, LO_SIZE, row_a, sem_a).start()

            @pl.when(j < EMBED_DIM)
            def _():
                tail_piece(j).wait()
                gather_span(tail_v, orow_v, n_lohi // LANES, N_CHUNKS,
                            n_lohi, BATCH)

            @pl.when(jn < EMBED_DIM)
            def _():
                tail_piece(jn).start()

            @pl.when(j < EMBED_DIM)
            def _():
                piece(j, HI_BASE, HI_SIZE, row_b, sem_b).wait()
                gather_span(row_b, orow_v, n_lo // LANES,
                            (n_lohi + LANES - 1) // LANES, n_lo, n_lohi)

            @pl.when(jn < EMBED_DIM)
            def _():
                piece(jn, HI_BASE, HI_SIZE, row_b, sem_b).start()

            @pl.when(j < EMBED_DIM)
            def _():
                pltpu.make_async_copy(orow_v, out_t_hbm.at[j], sem_o).start()

        return carry

    lax.fori_loop(0, ROWS_PER_W // 2, body, 0)

    out_wait(orow_a, sem_oa)

    @pl.when((ROWS_PER_W - 1) * NUM_WORKERS + wid < EMBED_DIM)
    def _():
        out_wait(orow_b, sem_ob)


def kernel(news_ids, embedding_table):
    idx = news_ids.astype(jnp.int32)
    tab_t = embedding_table.T
    tail_t = embedding_table[TAIL_BASE:, :].T
    out_t = _gather_t_kernel(idx, tab_t, tail_t)
    return out_t.T

# --- scband reference (transcript-rebuilt; emitter-appended) ---
"""Pipeline reference for scband-custom-news-encoder-50362786513242 (READ-ONLY COPY).

The authoritative reference and input builder live on the scoring server;
editing this copy changes nothing except your own understanding.
"""

import jax, jax.numpy as jnp
import numpy as np

VOCAB = 100000
EMBED_DIM = 300
BATCH = 4096

def setup_inputs(seed: int = 0) -> dict:
    key = jax.random.key(seed)
    k_idx, k_tab = jax.random.split(key)
    # In the torch module, news_ids (strings) are mapped to integer indices via
    # news_id_to_index; here we model that mapping's output directly as int64 indices.
    news_ids = jax.random.randint(k_idx, (BATCH,), 0, VOCAB, dtype=jnp.int64)
    # Pretrained (frozen) embedding table loaded from custom_embedding_path.
    embedding_table = jax.random.normal(k_tab, (VOCAB, EMBED_DIM), dtype=jnp.float32)
    return {"news_ids": news_ids, "embedding_table": embedding_table}

def reference(news_ids, embedding_table):
    # indices = torch.tensor([...]); embeddings = self.embedding(indices)
    embeddings = jnp.take(embedding_table, news_ids, axis=0)
    assert embeddings.shape[-1] == EMBED_DIM
    return embeddings

if __name__ == "__main__":
    import jax
    _d = setup_inputs()
    print(jax.jit(kernel)(*tuple(_d.values())))

</pallas_src>

<mosaic_0001>
#map = affine_map<(d0, d1) -> (0)>
#map1 = affine_map<(d0, d1) -> (0, 0)>
module attributes {stable_mosaic.version = 14 : i64} {
  func.func @_gather_t_kernel(%arg0: i32, %arg1: i32, %arg2: memref<4096xi32, #tpu.memory_space<hbm>>, %arg3: memref<300x100000xf32, #tpu.memory_space<hbm>>, %arg4: memref<300x160xf32, #tpu.memory_space<hbm>>, %arg5: memref<300x4096xf32, #tpu.memory_space<hbm>>, %arg6: memref<4096xi32, #tpu.memory_space<vmem>>, %arg7: memref<4112xi32, #tpu.memory_space<vmem>>, %arg8: memref<4112xi32, #tpu.memory_space<vmem>>, %arg9: memref<49920xf32, #tpu.memory_space<vmem>>, %arg10: memref<49920xf32, #tpu.memory_space<vmem>>, %arg11: memref<160xf32, #tpu.memory_space<vmem>>, %arg12: memref<4096xf32, #tpu.memory_space<vmem>>, %arg13: memref<4096xf32, #tpu.memory_space<vmem>>, %arg14: memref<!tpu.dma_semaphore, #tpu.memory_space<semaphore_mem>>, %arg15: memref<!tpu.dma_semaphore, #tpu.memory_space<semaphore_mem>>, %arg16: memref<!tpu.dma_semaphore, #tpu.memory_space<semaphore_mem>>, %arg17: memref<!tpu.dma_semaphore, #tpu.memory_space<semaphore_mem>>, %arg18: memref<!tpu.dma_semaphore, #tpu.memory_space<semaphore_mem>>) attributes {dimension_semantics = [#tpu.dimension_semantics<core_parallel>, #tpu.dimension_semantics<subcore_parallel>], iteration_bounds = array<i64: 2, 16>, scalar_prefetch = 0 : i64, scratch_operands = 13 : i64, tpu.core_type = #tpu.core_type<sc_vector_subcore>, window_params = [{transform_indices = #map}, {transform_indices = #map1}, {transform_indices = #map1}, {transform_indices = #map1}]} {
    %mul3A = arith.constant 2 : i32
    %mul3A_0 = arith.muli %arg1, %mul3A : i32
    %add3A = arith.addi %mul3A_0, %arg0 : i32
    "tpu.region"() ({
      %run_scoped3A = tpu.sem_alloc : memref<!tpu.dma_semaphore, #tpu.memory_space<semaphore_mem>>
      tpu.enqueue_dma source(%arg2 : memref<4096xi32, #tpu.memory_space<hbm>>) target(%arg6 : memref<4096xi32, #tpu.memory_space<vmem>>) target_semaphore(%run_scoped3A : memref<!tpu.dma_semaphore, #tpu.memory_space<semaphore_mem>>)
      tpu.wait_dma2 semaphore(%run_scoped3A : memref<!tpu.dma_semaphore, #tpu.memory_space<semaphore_mem>>) src(%arg2 : memref<4096xi32, #tpu.memory_space<hbm>>) dst(%arg6 : memref<4096xi32, #tpu.memory_space<vmem>>)
      tpu.yield
    }) : () -> ()
    %dma_start3A = arith.constant 0 : i32
    %dma_start3A_1 = tpu.memref_slice %arg3[%add3A, %dma_start3A] : memref<300x100000xf32, #tpu.memory_space<hbm>> -> memref<1x100000xf32, #tpu.memory_space<hbm>>
    %dma_start3A_2 = tpu.memref_squeeze %dma_start3A_1 : memref<1x100000xf32, #tpu.memory_space<hbm>> -> memref<100000xf32, #tpu.memory_space<hbm>>
    %dma_start3A_3 = arith.constant 0 : i32
    %dma_start3A_4 = tpu.memref_slice %dma_start3A_2[%dma_start3A_3] : memref<100000xf32, #tpu.memory_space<hbm>> -> memref<49920xf32, #tpu.memory_space<hbm>>
    %dma_start3A_5 = arith.constant 0 : i32
    %dma_start3A_6 = tpu.memref_slice %arg3[%add3A, %dma_start3A_5] : memref<300x100000xf32, #tpu.memory_space<hbm>> -> memref<1x100000xf32, #tpu.memory_space<hbm>>
    %dma_start3A_7 = tpu.memref_squeeze %dma_start3A_6 : memref<1x100000xf32, #tpu.memory_space<hbm>> -> memref<100000xf32, #tpu.memory_space<hbm>>
    %dma_start3A_8 = arith.constant 0 : i32
    %dma_start3A_9 = tpu.memref_slice %dma_start3A_7[%dma_start3A_8] : memref<100000xf32, #tpu.memory_space<hbm>> -> memref<49920xf32, #tpu.memory_space<hbm>>
    tpu.enqueue_dma source(%dma_start3A_9 : memref<49920xf32, #tpu.memory_space<hbm>>) target(%arg9 : memref<49920xf32, #tpu.memory_space<vmem>>) target_semaphore(%arg14 : memref<!tpu.dma_semaphore, #tpu.memory_space<semaphore_mem>>)
    %dma_start3A_10 = arith.constant 0 : i32
    %dma_start3A_11 = tpu.memref_slice %arg3[%add3A, %dma_start3A_10] : memref<300x100000xf32, #tpu.memory_space<hbm>> -> memref<1x100000xf32, #tpu.memory_space<hbm>>
    %dma_start3A_12 = tpu.memref_squeeze %dma_start3A_11 : memref<1x100000xf32, #tpu.memory_space<hbm>> -> memref<100000xf32, #tpu.memory_space<hbm>>
    %dma_start3A_13 = arith.constant 49920 : i32
    %dma_start3A_14 = tpu.memref_slice %dma_start3A_12[%dma_start3A_13] : memref<100000xf32, #tpu.memory_space<hbm>> -> memref<49920xf32, #tpu.memory_space<hbm>>
    %dma_start3A_15 = arith.constant 0 : i32
    %dma_start3A_16 = tpu.memref_slice %arg3[%add3A, %dma_start3A_15] : memref<300x100000xf32, #tpu.memory_space<hbm>> -> memref<1x100000xf32, #tpu.memory_space<hbm>>
    %dma_start3A_17 = tpu.memref_squeeze %dma_start3A_16 : memref<1x100000xf32, #tpu.memory_space<hbm>> -> memref<100000xf32, #tpu.memory_space<hbm>>
    %dma_start3A_18 = arith.constant 49920 : i32
    %dma_start3A_19 = tpu.memref_slice %dma_start3A_17[%dma_start3A_18] : memref<100000xf32, #tpu.memory_space<hbm>> -> memref<49920xf32, #tpu.memory_space<hbm>>
    tpu.enqueue_dma source(%dma_start3A_19 : memref<49920xf32, #tpu.memory_space<hbm>>) target(%arg10 : memref<49920xf32, #tpu.memory_space<vmem>>) target_semaphore(%arg15 : memref<!tpu.dma_semaphore, #tpu.memory_space<semaphore_mem>>)
    %dma_start3A_20 = arith.constant 0 : i32
    %dma_start3A_21 = tpu.memref_slice %arg4[%add3A, %dma_start3A_20] : memref<300x160xf32, #tpu.memory_space<hbm>> -> memref<1x160xf32, #tpu.memory_space<hbm>>
    %dma_start3A_22 = tpu.memref_squeeze %dma_start3A_21 : memref<1x160xf32, #tpu.memory_space<hbm>> -> memref<160xf32, #tpu.memory_space<hbm>>
    %dma_start3A_23 = arith.constant 0 : i32
    %dma_start3A_24 = tpu.memref_slice %arg4[%add3A, %dma_start3A_23] : memref<300x160xf32, #tpu.memory_space<hbm>> -> memref<1x160xf32, #tpu.memory_space<hbm>>
    %dma_start3A_25 = tpu.memref_squeeze %dma_start3A_24 : memref<1x160xf32, #tpu.memory_space<hbm>> -> memref<160xf32, #tpu.memory_space<hbm>>
    tpu.enqueue_dma source(%dma_start3A_25 : memref<160xf32, #tpu.memory_space<hbm>>) target(%arg11 : memref<160xf32, #tpu.memory_space<vmem>>) target_semaphore(%arg16 : memref<!tpu.dma_semaphore, #tpu.memory_space<semaphore_mem>>)
    %iota3A = tpu.iota {dimensions = array<i32: 0>} : vector<16xi32>
    %scan3A = arith.constant 0 : i32
    %scan3A_26 = arith.constant 0 : i32
    %scan3A_27 = arith.constant 256 : i32
    %scan3A_28 = arith.addi %scan3A_26, %scan3A_27 : i32
    %scan3A_29 = arith.constant 1 : i32
    %scan3A_30 = scf.for %scan3A_60 = %scan3A_26 to %scan3A_28 step %scan3A_29 iter_args(%scan3A_61 = %scan3A) -> (i32)  : i32 {
      %mul3A_62 = arith.constant 16 : i32
      %mul3A_63 = arith.muli %scan3A_60, %mul3A_62 : i32
      %get3A = arith.index_cast %mul3A_63 : i32 to index
      %get3A_64 = tpu.vector_load %arg6[%get3A] {strides = array<i32>} : memref<4096xi32, #tpu.memory_space<vmem>>, vector<16xi32>,
      %mul3A_65 = arith.constant 16 : i32
      %mul3A_66 = arith.muli %scan3A_60, %mul3A_65 : i32
      %add3A_67 = vector.broadcast %mul3A_66 : i32 to vector<16xi32>
      %add3A_68 = arith.addi %add3A_67, %iota3A : vector<16xi32>
      %ge3A = arith.constant 0 : i32
      %ge3A_69 = vector.broadcast %ge3A : i32 to vector<16xi32>
      %ge3A_70 = arith.cmpi sge, %get3A_64, %ge3A_69 : vector<16xi32>
      %lt3A_71 = arith.constant 49920 : i32
      %lt3A_72 = vector.broadcast %lt3A_71 : i32 to vector<16xi32>
      %lt3A_73 = arith.cmpi slt, %get3A_64, %lt3A_72 : vector<16xi32>
      %and3A = arith.andi %ge3A_70, %lt3A_73 : vector<16xi1>
      %sub3A = arith.constant 0 : i32
      %sub3A_74 = vector.broadcast %sub3A : i32 to vector<16xi32>
      %sub3A_75 = arith.subi %get3A_64, %sub3A_74 : vector<16xi32>
      %swap3A = arith.index_cast %scan3A_61 : i32 to index
      %swap3A_76 = tpu.vector_load %arg7[%swap3A] masked %and3A {strides = array<i32>} : memref<4112xi32, #tpu.memory_space<vmem>>, vector<16xi32>, vector<16xi1>
      tpu.vector_store %arg7[%swap3A], %sub3A_75 masked %and3A {strides = array<i32>} : memref<4112xi32, #tpu.memory_space<vmem>>, vector<16xi32>, vector<16xi1>
      %swap3A_77 = arith.index_cast %scan3A_61 : i32 to index
      %swap3A_78 = tpu.vector_load %arg8[%swap3A_77] masked %and3A {strides = array<i32>} : memref<4112xi32, #tpu.memory_space<vmem>>, vector<16xi32>, vector<16xi1>
      tpu.vector_store %arg8[%swap3A_77], %add3A_68 masked %and3A {strides = array<i32>} : memref<4112xi32, #tpu.memory_space<vmem>>, vector<16xi32>, vector<16xi1>
      %all_reduce_population_count3A = tpu.all_reduce %and3A {dim = 0 : i64, kind = #tpu.reduction_kind<sum>} : vector<16xi1> -> vector<16xi32>
      %slice3A = vector.extract_strided_slice %all_reduce_population_count3A {offsets = [0], sizes = [1], strides = [1]} : vector<16xi32> to vector<1xi32>
      %squeeze3A = vector.extract %slice3A[0] : i32 from vector<1xi32>
      %add3A_79 = arith.addi %scan3A_61, %squeeze3A : i32
      scf.yield %add3A_79 : i32
    }
    %scan3A_31 = arith.constant 256 : i32
    %scan3A_32 = arith.constant 0 : i32
    %scan3A_33 = arith.constant 256 : i32
    %scan3A_34 = arith.addi %scan3A_32, %scan3A_33 : i32
    %scan3A_35 = arith.constant 1 : i32
    %scan3A_36 = scf.for %scan3A_60 = %scan3A_32 to %scan3A_34 step %scan3A_35 iter_args(%scan3A_61 = %scan3A_30) -> (i32)  : i32 {
      %mul3A_62 = arith.constant 16 : i32
      %mul3A_63 = arith.muli %scan3A_60, %mul3A_62 : i32
      %get3A = arith.index_cast %mul3A_63 : i32 to index
      %get3A_64 = tpu.vector_load %arg6[%get3A] {strides = array<i32>} : memref<4096xi32, #tpu.memory_space<vmem>>, vector<16xi32>,
      %mul3A_65 = arith.constant 16 : i32
      %mul3A_66 = arith.muli %scan3A_60, %mul3A_65 : i32
      %add3A_67 = vector.broadcast %mul3A_66 : i32 to vector<16xi32>
      %add3A_68 = arith.addi %add3A_67, %iota3A : vector<16xi32>
      %ge3A = arith.constant 49920 : i32
      %ge3A_69 = vector.broadcast %ge3A : i32 to vector<16xi32>
      %ge3A_70 = arith.cmpi sge, %get3A_64, %ge3A_69 : vector<16xi32>
      %lt3A_71 = arith.constant 99840 : i32
      %lt3A_72 = vector.broadcast %lt3A_71 : i32 to vector<16xi32>
      %lt3A_73 = arith.cmpi slt, %get3A_64, %lt3A_72 : vector<16xi32>
      %and3A = arith.andi %ge3A_70, %lt3A_73 : vector<16xi1>
      %sub3A = arith.constant 49920 : i32
      %sub3A_74 = vector.broadcast %sub3A : i32 to vector<16xi32>
      %sub3A_75 = arith.subi %get3A_64, %sub3A_74 : vector<16xi32>
      %swap3A = arith.index_cast %scan3A_61 : i32 to index
      %swap3A_76 = tpu.vector_load %arg7[%swap3A] masked %and3A {strides = array<i32>} : memref<4112xi32, #tpu.memory_space<vmem>>, vector<16xi32>, vector<16xi1>
      tpu.vector_store %arg7[%swap3A], %sub3A_75 masked %and3A {strides = array<i32>} : memref<4112xi32, #tpu.memory_space<vmem>>, vector<16xi32>, vector<16xi1>
      %swap3A_77 = arith.index_cast %scan3A_61 : i32 to index
      %swap3A_78 = tpu.vector_load %arg8[%swap3A_77] masked %and3A {strides = array<i32>} : memref<4112xi32, #tpu.memory_space<vmem>>, vector<16xi32>, vector<16xi1>
      tpu.vector_store %arg8[%swap3A_77], %add3A_68 masked %and3A {strides = array<i32>} : memref<4112xi32, #tpu.memory_space<vmem>>, vector<16xi32>, vector<16xi1>
      %all_reduce_population_count3A = tpu.all_reduce %and3A {dim = 0 : i64, kind = #tpu.reduction_kind<sum>} : vector<16xi1> -> vector<16xi32>
      %slice3A = vector.extract_strided_slice %all_reduce_population_count3A {offsets = [0], sizes = [1], strides = [1]} : vector<16xi32> to vector<1xi32>
      %squeeze3A = vector.extract %slice3A[0] : i32 from vector<1xi32>
      %add3A_79 = arith.addi %scan3A_61, %squeeze3A : i32
      scf.yield %add3A_79 : i32
    }
    %scan3A_37 = arith.constant 256 : i32
    %scan3A_38 = arith.constant 0 : i32
    %scan3A_39 = arith.constant 256 : i32
    %scan3A_40 = arith.addi %scan3A_38, %scan3A_39 : i32
    %scan3A_41 = arith.constant 1 : i32
    %scan3A_42 = scf.for %scan3A_60 = %scan3A_38 to %scan3A_40 step %scan3A_41 iter_args(%scan3A_61 = %scan3A_36) -> (i32)  : i32 {
      %mul3A_62 = arith.constant 16 : i32
      %mul3A_63 = arith.muli %scan3A_60, %mul3A_62 : i32
      %get3A = arith.index_cast %mul3A_63 : i32 to index
      %get3A_64 = tpu.vector_load %arg6[%get3A] {strides = array<i32>} : memref<4096xi32, #tpu.memory_space<vmem>>, vector<16xi32>,
      %mul3A_65 = arith.constant 16 : i32
      %mul3A_66 = arith.muli %scan3A_60, %mul3A_65 : i32
      %add3A_67 = vector.broadcast %mul3A_66 : i32 to vector<16xi32>
      %add3A_68 = arith.addi %add3A_67, %iota3A : vector<16xi32>
      %ge3A = arith.constant 99840 : i32
      %ge3A_69 = vector.broadcast %ge3A : i32 to vector<16xi32>
      %ge3A_70 = arith.cmpi sge, %get3A_64, %ge3A_69 : vector<16xi32>
      %lt3A_71 = arith.constant 100000 : i32
      %lt3A_72 = vector.broadcast %lt3A_71 : i32 to vector<16xi32>
      %lt3A_73 = arith.cmpi slt, %get3A_64, %lt3A_72 : vector<16xi32>
      %and3A = arith.andi %ge3A_70, %lt3A_73 : vector<16xi1>
      %sub3A = arith.constant 99840 : i32
      %sub3A_74 = vector.broadcast %sub3A : i32 to vector<16xi32>
      %sub3A_75 = arith.subi %get3A_64, %sub3A_74 : vector<16xi32>
      %swap3A = arith.index_cast %scan3A_61 : i32 to index
      %swap3A_76 = tpu.vector_load %arg7[%swap3A] masked %and3A {strides = array<i32>} : memref<4112xi32, #tpu.memory_space<vmem>>, vector<16xi32>, vector<16xi1>
      tpu.vector_store %arg7[%swap3A], %sub3A_75 masked %and3A {strides = array<i32>} : memref<4112xi32, #tpu.memory_space<vmem>>, vector<16xi32>, vector<16xi1>
      %swap3A_77 = arith.index_cast %scan3A_61 : i32 to index
      %swap3A_78 = tpu.vector_load %arg8[%swap3A_77] masked %and3A {strides = array<i32>} : memref<4112xi32, #tpu.memory_space<vmem>>, vector<16xi32>, vector<16xi1>
      tpu.vector_store %arg8[%swap3A_77], %add3A_68 masked %and3A {strides = array<i32>} : memref<4112xi32, #tpu.memory_space<vmem>>, vector<16xi32>, vector<16xi1>
      %all_reduce_population_count3A = tpu.all_reduce %and3A {dim = 0 : i64, kind = #tpu.reduction_kind<sum>} : vector<16xi1> -> vector<16xi32>
      %slice3A = vector.extract_strided_slice %all_reduce_population_count3A {offsets = [0], sizes = [1], strides = [1]} : vector<16xi32> to vector<1xi32>
      %squeeze3A = vector.extract %slice3A[0] : i32 from vector<1xi32>
      %add3A_79 = arith.addi %scan3A_61, %squeeze3A : i32
      scf.yield %add3A_79 : i32
    }
    %scan3A_43 = arith.constant 256 : i32
    %scan3A_44 = arith.constant 0 : i32
    %scan3A_45 = arith.constant 0 : i32
    %scan3A_46 = arith.constant 5 : i32
    %scan3A_47 = arith.addi %scan3A_45, %scan3A_46 : i32
    %scan3A_48 = arith.constant 1 : i32
    scf.for %scan3A_60 = %scan3A_45 to %scan3A_47 step %scan3A_48  : i32 {
      %mul3A_61 = arith.constant 2 : i32
      %mul3A_62 = arith.muli %mul3A_61, %scan3A_60 : i32
      %add3A_63 = arith.constant 0 : i32
      %add3A_64 = arith.addi %mul3A_62, %add3A_63 : i32
      %mul3A_65 = arith.constant 32 : i32
      %mul3A_66 = arith.muli %add3A_64, %mul3A_65 : i32
      %add3A_67 = arith.addi %mul3A_66, %add3A : i32
      %add3A_68 = arith.constant 32 : i32
      %add3A_69 = arith.addi %add3A_67, %add3A_68 : i32
      %ge3A = arith.constant 1 : i32
      %ge3A_70 = arith.cmpi sge, %scan3A_60, %ge3A : i32
      %convert_element_type3A_71 = arith.extui %ge3A_70 : i1 to i32
      %cond3A_72 = arith.constant 0 : i32
      %cond3A_73 = arith.cmpi ne, %convert_element_type3A_71, %cond3A_72 : i32
      scf.if %cond3A_73 {
        %dma_wait3A_158 = arith.constant 0 : i32
        %dma_wait3A_159 = arith.constant 0 : i32
        %dma_wait3A_160 = tpu.memref_slice %arg5[%dma_wait3A_158, %dma_wait3A_159] : memref<300x4096xf32, #tpu.memory_space<hbm>> -> memref<1x4096xf32, #tpu.memory_space<hbm>>
        %dma_wait3A_161 = tpu.memref_squeeze %dma_wait3A_160 : memref<1x4096xf32, #tpu.memory_space<hbm>> -> memref<4096xf32, #tpu.memory_space<hbm>>
        %dma_wait3A_162 = arith.constant 0 : i32
        %dma_wait3A_163 = tpu.memref_slice %arg5[%dma_wait3A_158, %dma_wait3A_162] : memref<300x4096xf32, #tpu.memory_space<hbm>> -> memref<1x4096xf32, #tpu.memory_space<hbm>>
        %dma_wait3A_164 = tpu.memref_squeeze %dma_wait3A_163 : memref<1x4096xf32, #tpu.memory_space<hbm>> -> memref<4096xf32, #tpu.memory_space<hbm>>
        tpu.wait_dma2 semaphore(%arg17 : memref<!tpu.dma_semaphore, #tpu.memory_space<semaphore_mem>>) src(%arg12 : memref<4096xf32, #tpu.memory_space<vmem>>) dst(%dma_wait3A_164 : memref<4096xf32, #tpu.memory_space<hbm>>)
      } else {
      }
      %lt3A_74 = arith.constant 300 : i32
      %lt3A_75 = arith.cmpi slt, %add3A_67, %lt3A_74 : i32
      %convert_element_type3A_76 = arith.extui %lt3A_75 : i1 to i32
      %cond3A_77 = arith.constant 0 : i32
      %cond3A_78 = arith.cmpi ne, %convert_element_type3A_76, %cond3A_77 : i32
      scf.if %cond3A_78 {
        %dma_wait3A_158 = arith.constant 0 : i32
        %dma_wait3A_159 = tpu.memref_slice %arg3[%add3A_67, %dma_wait3A_158] : memref<300x100000xf32, #tpu.memory_space<hbm>> -> memref<1x100000xf32, #tpu.memory_space<hbm>>
        %dma_wait3A_160 = tpu.memref_squeeze %dma_wait3A_159 : memref<1x100000xf32, #tpu.memory_space<hbm>> -> memref<100000xf32, #tpu.memory_space<hbm>>
        %dma_wait3A_161 = arith.constant 0 : i32
        %dma_wait3A_162 = tpu.memref_slice %dma_wait3A_160[%dma_wait3A_161] : memref<100000xf32, #tpu.memory_space<hbm>> -> memref<49920xf32, #tpu.memory_space<hbm>>
        %dma_wait3A_163 = arith.constant 0 : i32
        %dma_wait3A_164 = tpu.memref_slice %arg3[%add3A_67, %dma_wait3A_163] : memref<300x100000xf32, #tpu.memory_space<hbm>> -> memref<1x100000xf32, #tpu.memory_space<hbm>>
        %dma_wait3A_165 = tpu.memref_squeeze %dma_wait3A_164 : memref<1x100000xf32, #tpu.memory_space<hbm>> -> memref<100000xf32, #tpu.memory_space<hbm>>
        %dma_wait3A_166 = arith.constant 0 : i32
        %dma_wait3A_167 = tpu.memref_slice %dma_wait3A_165[%dma_wait3A_166] : memref<100000xf32, #tpu.memory_space<hbm>> -> memref<49920xf32, #tpu.memory_space<hbm>>
        tpu.wait_dma2 semaphore(%arg14 : memref<!tpu.dma_semaphore, #tpu.memory_space<semaphore_mem>>) src(%dma_wait3A_167 : memref<49920xf32, #tpu.memory_space<hbm>>) dst(%arg9 : memref<49920xf32, #tpu.memory_space<vmem>>)
        %add3A_168 = arith.constant 16 : i32
        %add3A_169 = arith.addi %scan3A_30, %add3A_168 : i32
        %sub3A = arith.constant 1 : i32
        %sub3A_170 = arith.subi %add3A_169, %sub3A : i32
        %jit3A = arith.constant 16 : i32
        %div3A = arith.divsi %sub3A_170, %jit3A : i32
        %sign3A = arith.constant 0 : i32
        %sign3A_171 = arith.cmpi sgt, %sub3A_170, %sign3A : i32
        %sign3A_172 = arith.extui %sign3A_171 : i1 to i32
        %sign3A_173 = arith.constant 0 : i32
        %sign3A_174 = arith.cmpi slt, %sub3A_170, %sign3A_173 : i32
        %sign3A_175 = arith.extui %sign3A_174 : i1 to i32
        %sign3A_176 = arith.subi %sign3A_172, %sign3A_175 : i32
        %sign3A_177 = arith.constant 0 : i32
        %sign3A_178 = arith.cmpi sgt, %jit3A, %sign3A_177 : i32
        %sign3A_179 = arith.extui %sign3A_178 : i1 to i32
        %sign3A_180 = arith.constant 0 : i32
        %sign3A_181 = arith.cmpi slt, %jit3A, %sign3A_180 : i32
        %sign3A_182 = arith.extui %sign3A_181 : i1 to i32
        %sign3A_183 = arith.subi %sign3A_179, %sign3A_182 : i32
        %ne3A = arith.cmpi ne, %sign3A_176, %sign3A_183 : i32
        %rem3A = arith.remsi %sub3A_170, %jit3A : i32
        %ne3A_184 = arith.constant 0 : i32
        %ne3A_185 = arith.cmpi ne, %rem3A, %ne3A_184 : i32
        %and3A = arith.andi %ne3A, %ne3A_185 : i1
        %sub3A_186 = arith.constant 1 : i32
        %sub3A_187 = arith.subi %div3A, %sub3A_186 : i32
        %select_n3A = arith.select %and3A, %sub3A_187, %div3A : i32
        %while3A = arith.constant 0 : i32
        %while3A_188 = arith.constant 0 : i32
        %while3A_189 = arith.subi %select_n3A, %while3A_188 : i32
        %while3A_190 = arith.addi %while3A_188, %while3A_189 : i32
        %while3A_191 = arith.constant 1 : i32
        %while3A_192 = arith.divsi %while3A_189, %while3A_191 : i32
        %while3A_193 = arith.muli %while3A_192, %while3A_191 : i32
        %while3A_194 = arith.addi %while3A_188, %while3A_193 : i32
        %while3A_195 = arith.constant 1 : i32
        scf.for %while3A_197 = %while3A_188 to %while3A_194 step %while3A_195  : i32 {
          %mul3A_198 = arith.constant 16 : i32
          %mul3A_199 = arith.muli %while3A_197, %mul3A_198 : i32
          %get3A = arith.index_cast %mul3A_199 : i32 to index
          %get3A_200 = tpu.vector_load %arg7[%get3A] {strides = array<i32>} : memref<4112xi32, #tpu.memory_space<vmem>>, vector<16xi32>,
          %get3A_201 = arith.index_cast %mul3A_199 : i32 to index
          %get3A_202 = tpu.vector_load %arg8[%get3A_201] {strides = array<i32>} : memref<4112xi32, #tpu.memory_space<vmem>>, vector<16xi32>,
          %add3A_203 = vector.broadcast %mul3A_199 : i32 to vector<16xi32>
          %add3A_204 = arith.addi %add3A_203, %iota3A : vector<16xi32>
          %ge3A_205 = arith.constant 0 : i32
          %ge3A_206 = vector.broadcast %ge3A_205 : i32 to vector<16xi32>
          %ge3A_207 = arith.cmpi sge, %add3A_204, %ge3A_206 : vector<16xi32>
          %lt3A_208 = vector.broadcast %scan3A_30 : i32 to vector<16xi32>
          %lt3A_209 = arith.cmpi slt, %add3A_204, %lt3A_208 : vector<16xi32>
          %and3A_210 = arith.andi %ge3A_207, %lt3A_209 : vector<16xi1>
          %gather3A = tpu.vector_load_idx %arg9[%get3A_200] masked %and3A_210 : memref<49920xf32, #tpu.memory_space<vmem>>[vector<16xi32>], vector<16xf32>, vector<16xi1>
          tpu.vector_store_idx %arg12[%get3A_202], %gather3A masked %and3A_210 : memref<4096xf32, #tpu.memory_space<vmem>>[vector<16xi32>], vector<16xf32>, vector<16xi1>
        }
        %while3A_196 = arith.constant 1 : i32
        scf.for %while3A_197 = %while3A_194 to %while3A_190 step %while3A_196  : i32 {
          %mul3A_198 = arith.constant 16 : i32
          %mul3A_199 = arith.muli %while3A_197, %mul3A_198 : i32
          %get3A = arith.index_cast %mul3A_199 : i32 to index
          %get3A_200 = tpu.vector_load %arg7[%get3A] {strides = array<i32>} : memref<4112xi32, #tpu.memory_space<vmem>>, vector<16xi32>,
          %get3A_201 = arith.index_cast %mul3A_199 : i32 to index
          %get3A_202 = tpu.vector_load %arg8[%get3A_201] {strides = array<i32>} : memref<4112xi32, #tpu.memory_space<vmem>>, vector<16xi32>,
          %add3A_203 = vector.broadcast %mul3A_199 : i32 to vector<16xi32>
          %add3A_204 = arith.addi %add3A_203, %iota3A : vector<16xi32>
          %ge3A_205 = arith.constant 0 : i32
          %ge3A_206 = vector.broadcast %ge3A_205 : i32 to vector<16xi32>
          %ge3A_207 = arith.cmpi sge, %add3A_204, %ge3A_206 : vector<16xi32>
          %lt3A_208 = vector.broadcast %scan3A_30 : i32 to vector<16xi32>
          %lt3A_209 = arith.cmpi slt, %add3A_204, %lt3A_208 : vector<16xi32>
          %and3A_210 = arith.andi %ge3A_207, %lt3A_209 : vector<16xi1>
          %gather3A = tpu.vector_load_idx %arg9[%get3A_200] masked %and3A_210 : memref<49920xf32, #tpu.memory_space<vmem>>[vector<16xi32>], vector<16xf32>, vector<16xi1>
          tpu.vector_store_idx %arg12[%get3A_202], %gather3A masked %and3A_210 : memref<4096xf32, #tpu.memory_space<vmem>>[vector<16xi32>], vector<16xf32>, vector<16xi1>
        }
      } else {
      }
      %lt3A_79 = arith.constant 300 : i32
      %lt3A_80 = arith.cmpi slt, %add3A_69, %lt3A_79 : i32
      %convert_element_type3A_81 = arith.extui %lt3A_80 : i1 to i32
      %cond3A_82 = arith.constant 0 : i32
      %cond3A_83 = arith.cmpi ne, %convert_element_type3A_81, %cond3A_82 : i32
      scf.if %cond3A_83 {
        %dma_start3A_158 = arith.constant 0 : i32
        %dma_start3A_159 = tpu.memref_slice %arg3[%add3A_69, %dma_start3A_158] : memref<300x100000xf32, #tpu.memory_space<hbm>> -> memref<1x100000xf32, #tpu.memory_space<hbm>>
        %dma_start3A_160 = tpu.memref_squeeze %dma_start3A_159 : memref<1x100000xf32, #tpu.memory_space<hbm>> -> memref<100000xf32, #tpu.memory_space<hbm>>
        %dma_start3A_161 = arith.constant 0 : i32
        %dma_start3A_162 = tpu.memref_slice %dma_start3A_160[%dma_start3A_161] : memref<100000xf32, #tpu.memory_space<hbm>> -> memref<49920xf32, #tpu.memory_space<hbm>>
        %dma_start3A_163 = arith.constant 0 : i32
        %dma_start3A_164 = tpu.memref_slice %arg3[%add3A_69, %dma_start3A_163] : memref<300x100000xf32, #tpu.memory_space<hbm>> -> memref<1x100000xf32, #tpu.memory_space<hbm>>
        %dma_start3A_165 = tpu.memref_squeeze %dma_start3A_164 : memref<1x100000xf32, #tpu.memory_space<hbm>> -> memref<100000xf32, #tpu.memory_space<hbm>>
        %dma_start3A_166 = arith.constant 0 : i32
        %dma_start3A_167 = tpu.memref_slice %dma_start3A_165[%dma_start3A_166] : memref<100000xf32, #tpu.memory_space<hbm>> -> memref<49920xf32, #tpu.memory_space<hbm>>
        tpu.enqueue_dma source(%dma_start3A_167 : memref<49920xf32, #tpu.memory_space<hbm>>) target(%arg9 : memref<49920xf32, #tpu.memory_space<vmem>>) target_semaphore(%arg14 : memref<!tpu.dma_semaphore, #tpu.memory_space<semaphore_mem>>)
      } else {
      }
      %lt3A_84 = arith.constant 300 : i32
      %lt3A_85 = arith.cmpi slt, %add3A_67, %lt3A_84 : i32
      %convert_element_type3A_86 = arith.extui %lt3A_85 : i1 to i32
      %cond3A_87 = arith.constant 0 : i32
      %cond3A_88 = arith.cmpi ne, %convert_element_type3A_86, %cond3A_87 : i32
      scf.if %cond3A_88 {
        %dma_wait3A_158 = arith.constant 0 : i32
        %dma_wait3A_159 = tpu.memref_slice %arg4[%add3A_67, %dma_wait3A_158] : memref<300x160xf32, #tpu.memory_space<hbm>> -> memref<1x160xf32, #tpu.memory_space<hbm>>
        %dma_wait3A_160 = tpu.memref_squeeze %dma_wait3A_159 : memref<1x160xf32, #tpu.memory_space<hbm>> -> memref<160xf32, #tpu.memory_space<hbm>>
        %dma_wait3A_161 = arith.constant 0 : i32
        %dma_wait3A_162 = tpu.memref_slice %arg4[%add3A_67, %dma_wait3A_161] : memref<300x160xf32, #tpu.memory_space<hbm>> -> memref<1x160xf32, #tpu.memory_space<hbm>>
        %dma_wait3A_163 = tpu.memref_squeeze %dma_wait3A_162 : memref<1x160xf32, #tpu.memory_space<hbm>> -> memref<160xf32, #tpu.memory_space<hbm>>
        tpu.wait_dma2 semaphore(%arg16 : memref<!tpu.dma_semaphore, #tpu.memory_space<semaphore_mem>>) src(%dma_wait3A_163 : memref<160xf32, #tpu.memory_space<hbm>>) dst(%arg11 : memref<160xf32, #tpu.memory_space<vmem>>)
        %jit3A = arith.constant 16 : i32
        %div3A = arith.divsi %scan3A_36, %jit3A : i32
        %sign3A = arith.constant 0 : i32
        %sign3A_164 = arith.cmpi sgt, %scan3A_36, %sign3A : i32
        %sign3A_165 = arith.extui %sign3A_164 : i1 to i32
        %sign3A_166 = arith.constant 0 : i32
        %sign3A_167 = arith.cmpi slt, %scan3A_36, %sign3A_166 : i32
        %sign3A_168 = arith.extui %sign3A_167 : i1 to i32
        %sign3A_169 = arith.subi %sign3A_165, %sign3A_168 : i32
        %sign3A_170 = arith.constant 0 : i32
        %sign3A_171 = arith.cmpi sgt, %jit3A, %sign3A_170 : i32
        %sign3A_172 = arith.extui %sign3A_171 : i1 to i32
        %sign3A_173 = arith.constant 0 : i32
        %sign3A_174 = arith.cmpi slt, %jit3A, %sign3A_173 : i32
        %sign3A_175 = arith.extui %sign3A_174 : i1 to i32
        %sign3A_176 = arith.subi %sign3A_172, %sign3A_175 : i32
        %ne3A = arith.cmpi ne, %sign3A_169, %sign3A_176 : i32
        %rem3A = arith.remsi %scan3A_36, %jit3A : i32
        %ne3A_177 = arith.constant 0 : i32
        %ne3A_178 = arith.cmpi ne, %rem3A, %ne3A_177 : i32
        %and3A = arith.andi %ne3A, %ne3A_178 : i1
        %sub3A = arith.constant 1 : i32
        %sub3A_179 = arith.subi %div3A, %sub3A : i32
        %select_n3A = arith.select %and3A, %sub3A_179, %div3A : i32
        %while3A = arith.constant 0 : i32
        %while3A_180 = arith.constant 256 : i32
        %while3A_181 = arith.subi %while3A_180, %select_n3A : i32
        %while3A_182 = arith.addi %select_n3A, %while3A_181 : i32
        %while3A_183 = arith.constant 1 : i32
        %while3A_184 = arith.divsi %while3A_181, %while3A_183 : i32
        %while3A_185 = arith.muli %while3A_184, %while3A_183 : i32
        %while3A_186 = arith.addi %select_n3A, %while3A_185 : i32
        %while3A_187 = arith.constant 1 : i32
        scf.for %while3A_189 = %select_n3A to %while3A_186 step %while3A_187  : i32 {
          %mul3A_190 = arith.constant 16 : i32
          %mul3A_191 = arith.muli %while3A_189, %mul3A_190 : i32
          %get3A = arith.index_cast %mul3A_191 : i32 to index
          %get3A_192 = tpu.vector_load %arg7[%get3A] {strides = array<i32>} : memref<4112xi32, #tpu.memory_space<vmem>>, vector<16xi32>,
          %get3A_193 = arith.index_cast %mul3A_191 : i32 to index
          %get3A_194 = tpu.vector_load %arg8[%get3A_193] {strides = array<i32>} : memref<4112xi32, #tpu.memory_space<vmem>>, vector<16xi32>,
          %add3A_195 = vector.broadcast %mul3A_191 : i32 to vector<16xi32>
          %add3A_196 = arith.addi %add3A_195, %iota3A : vector<16xi32>
          %ge3A_197 = vector.broadcast %scan3A_36 : i32 to vector<16xi32>
          %ge3A_198 = arith.cmpi sge, %add3A_196, %ge3A_197 : vector<16xi32>
          %lt3A_199 = arith.constant 4096 : i32
          %lt3A_200 = vector.broadcast %lt3A_199 : i32 to vector<16xi32>
          %lt3A_201 = arith.cmpi slt, %add3A_196, %lt3A_200 : vector<16xi32>
          %and3A_202 = arith.andi %ge3A_198, %lt3A_201 : vector<16xi1>
          %gather3A = tpu.vector_load_idx %arg11[%get3A_192] masked %and3A_202 : memref<160xf32, #tpu.memory_space<vmem>>[vector<16xi32>], vector<16xf32>, vector<16xi1>
          tpu.vector_store_idx %arg12[%get3A_194], %gather3A masked %and3A_202 : memref<4096xf32, #tpu.memory_space<vmem>>[vector<16xi32>], vector<16xf32>, vector<16xi1>
        }
        %while3A_188 = arith.constant 1 : i32
        scf.for %while3A_189 = %while3A_186 to %while3A_182 step %while3A_188  : i32 {
          %mul3A_190 = arith.constant 16 : i32
          %mul3A_191 = arith.muli %while3A_189, %mul3A_190 : i32
          %get3A = arith.index_cast %mul3A_191 : i32 to index
          %get3A_192 = tpu.vector_load %arg7[%get3A] {strides = array<i32>} : memref<4112xi32, #tpu.memory_space<vmem>>, vector<16xi32>,
          %get3A_193 = arith.index_cast %mul3A_191 : i32 to index
          %get3A_194 = tpu.vector_load %arg8[%get3A_193] {strides = array<i32>} : memref<4112xi32, #tpu.memory_space<vmem>>, vector<16xi32>,
          %add3A_195 = vector.broadcast %mul3A_191 : i32 to vector<16xi32>
          %add3A_196 = arith.addi %add3A_195, %iota3A : vector<16xi32>
          %ge3A_197 = vector.broadcast %scan3A_36 : i32 to vector<16xi32>
          %ge3A_198 = arith.cmpi sge, %add3A_196, %ge3A_197 : vector<16xi32>
          %lt3A_199 = arith.constant 4096 : i32
          %lt3A_200 = vector.broadcast %lt3A_199 : i32 to vector<16xi32>
          %lt3A_201 = arith.cmpi slt, %add3A_196, %lt3A_200 : vector<16xi32>
          %and3A_202 = arith.andi %ge3A_198, %lt3A_201 : vector<16xi1>
          %gather3A = tpu.vector_load_idx %arg11[%get3A_192] masked %and3A_202 : memref<160xf32, #tpu.memory_space<vmem>>[vector<16xi32>], vector<16xf32>, vector<16xi1>
          tpu.vector_store_idx %arg12[%get3A_194], %gather3A masked %and3A_202 : memref<4096xf32, #tpu.memory_space<vmem>>[vector<16xi32>], vector<16xf32>, vector<16xi1>
        }
      } else {
      }
      %lt3A_89 = arith.constant 300 : i32
      %lt3A_90 = arith.cmpi slt, %add3A_69, %lt3A_89 : i32
      %convert_element_type3A_91 = arith.extui %lt3A_90 : i1 to i32
      %cond3A_92 = arith.constant 0 : i32
      %cond3A_93 = arith.cmpi ne, %convert_element_type3A_91, %cond3A_92 : i32
      scf.if %cond3A_93 {
        %dma_start3A_158 = arith.constant 0 : i32
        %dma_start3A_159 = tpu.memref_slice %arg4[%add3A_69, %dma_start3A_158] : memref<300x160xf32, #tpu.memory_space<hbm>> -> memref<1x160xf32, #tpu.memory_space<hbm>>
        %dma_start3A_160 = tpu.memref_squeeze %dma_start3A_159 : memref<1x160xf32, #tpu.memory_space<hbm>> -> memref<160xf32, #tpu.memory_space<hbm>>
        %dma_start3A_161 = arith.constant 0 : i32
        %dma_start3A_162 = tpu.memref_slice %arg4[%add3A_69, %dma_start3A_161] : memref<300x160xf32, #tpu.memory_space<hbm>> -> memref<1x160xf32, #tpu.memory_space<hbm>>
        %dma_start3A_163 = tpu.memref_squeeze %dma_start3A_162 : memref<1x160xf32, #tpu.memory_space<hbm>> -> memref<160xf32, #tpu.memory_space<hbm>>
        tpu.enqueue_dma source(%dma_start3A_163 : memref<160xf32, #tpu.memory_space<hbm>>) target(%arg11 : memref<160xf32, #tpu.memory_space<vmem>>) target_semaphore(%arg16 : memref<!tpu.dma_semaphore, #tpu.memory_space<semaphore_mem>>)
      } else {
      }
      %lt3A_94 = arith.constant 300 : i32
      %lt3A_95 = arith.cmpi slt, %add3A_67, %lt3A_94 : i32
      %convert_element_type3A_96 = arith.extui %lt3A_95 : i1 to i32
      %cond3A_97 = arith.constant 0 : i32
      %cond3A_98 = arith.cmpi ne, %convert_element_type3A_96, %cond3A_97 : i32
      scf.if %cond3A_98 {
        %dma_wait3A_158 = arith.constant 0 : i32
        %dma_wait3A_159 = tpu.memref_slice %arg3[%add3A_67, %dma_wait3A_158] : memref<300x100000xf32, #tpu.memory_space<hbm>> -> memref<1x100000xf32, #tpu.memory_space<hbm>>
        %dma_wait3A_160 = tpu.memref_squeeze %dma_wait3A_159 : memref<1x100000xf32, #tpu.memory_space<hbm>> -> memref<100000xf32, #tpu.memory_space<hbm>>
        %dma_wait3A_161 = arith.constant 49920 : i32
        %dma_wait3A_162 = tpu.memref_slice %dma_wait3A_160[%dma_wait3A_161] : memref<100000xf32, #tpu.memory_space<hbm>> -> memref<49920xf32, #tpu.memory_space<hbm>>
        %dma_wait3A_163 = arith.constant 0 : i32
        %dma_wait3A_164 = tpu.memref_slice %arg3[%add3A_67, %dma_wait3A_163] : memref<300x100000xf32, #tpu.memory_space<hbm>> -> memref<1x100000xf32, #tpu.memory_space<hbm>>
        %dma_wait3A_165 = tpu.memref_squeeze %dma_wait3A_164 : memref<1x100000xf32, #tpu.memory_space<hbm>> -> memref<100000xf32, #tpu.memory_space<hbm>>
        %dma_wait3A_166 = arith.constant 49920 : i32
        %dma_wait3A_167 = tpu.memref_slice %dma_wait3A_165[%dma_wait3A_166] : memref<100000xf32, #tpu.memory_space<hbm>> -> memref<49920xf32, #tpu.memory_space<hbm>>
        tpu.wait_dma2 semaphore(%arg15 : memref<!tpu.dma_semaphore, #tpu.memory_space<semaphore_mem>>) src(%dma_wait3A_167 : memref<49920xf32, #tpu.memory_space<hbm>>) dst(%arg10 : memref<49920xf32, #tpu.memory_space<vmem>>)
        %jit3A = arith.constant 16 : i32
        %div3A = arith.divsi %scan3A_30, %jit3A : i32
        %sign3A = arith.constant 0 : i32
        %sign3A_168 = arith.cmpi sgt, %scan3A_30, %sign3A : i32
        %sign3A_169 = arith.extui %sign3A_168 : i1 to i32
        %sign3A_170 = arith.constant 0 : i32
        %sign3A_171 = arith.cmpi slt, %scan3A_30, %sign3A_170 : i32
        %sign3A_172 = arith.extui %sign3A_171 : i1 to i32
        %sign3A_173 = arith.subi %sign3A_169, %sign3A_172 : i32
        %sign3A_174 = arith.constant 0 : i32
        %sign3A_175 = arith.cmpi sgt, %jit3A, %sign3A_174 : i32
        %sign3A_176 = arith.extui %sign3A_175 : i1 to i32
        %sign3A_177 = arith.constant 0 : i32
        %sign3A_178 = arith.cmpi slt, %jit3A, %sign3A_177 : i32
        %sign3A_179 = arith.extui %sign3A_178 : i1 to i32
        %sign3A_180 = arith.subi %sign3A_176, %sign3A_179 : i32
        %ne3A = arith.cmpi ne, %sign3A_173, %sign3A_180 : i32
        %rem3A = arith.remsi %scan3A_30, %jit3A : i32
        %ne3A_181 = arith.constant 0 : i32
        %ne3A_182 = arith.cmpi ne, %rem3A, %ne3A_181 : i32
        %and3A = arith.andi %ne3A, %ne3A_182 : i1
        %sub3A = arith.constant 1 : i32
        %sub3A_183 = arith.subi %div3A, %sub3A : i32
        %select_n3A = arith.select %and3A, %sub3A_183, %div3A : i32
        %add3A_184 = arith.constant 16 : i32
        %add3A_185 = arith.addi %scan3A_36, %add3A_184 : i32
        %sub3A_186 = arith.constant 1 : i32
        %sub3A_187 = arith.subi %add3A_185, %sub3A_186 : i32
        %jit3A_188 = arith.constant 16 : i32
        %div3A_189 = arith.divsi %sub3A_187, %jit3A_188 : i32
        %sign3A_190 = arith.constant 0 : i32
        %sign3A_191 = arith.cmpi sgt, %sub3A_187, %sign3A_190 : i32
        %sign3A_192 = arith.extui %sign3A_191 : i1 to i32
        %sign3A_193 = arith.constant 0 : i32
        %sign3A_194 = arith.cmpi slt, %sub3A_187, %sign3A_193 : i32
        %sign3A_195 = arith.extui %sign3A_194 : i1 to i32
        %sign3A_196 = arith.subi %sign3A_192, %sign3A_195 : i32
        %sign3A_197 = arith.constant 0 : i32
        %sign3A_198 = arith.cmpi sgt, %jit3A_188, %sign3A_197 : i32
        %sign3A_199 = arith.extui %sign3A_198 : i1 to i32
        %sign3A_200 = arith.constant 0 : i32
        %sign3A_201 = arith.cmpi slt, %jit3A_188, %sign3A_200 : i32
        %sign3A_202 = arith.extui %sign3A_201 : i1 to i32
        %sign3A_203 = arith.subi %sign3A_199, %sign3A_202 : i32
        %ne3A_204 = arith.cmpi ne, %sign3A_196, %sign3A_203 : i32
        %rem3A_205 = arith.remsi %sub3A_187, %jit3A_188 : i32
        %ne3A_206 = arith.constant 0 : i32
        %ne3A_207 = arith.cmpi ne, %rem3A_205, %ne3A_206 : i32
        %and3A_208 = arith.andi %ne3A_204, %ne3A_207 : i1
        %sub3A_209 = arith.constant 1 : i32
        %sub3A_210 = arith.subi %div3A_189, %sub3A_209 : i32
        %select_n3A_211 = arith.select %and3A_208, %sub3A_210, %div3A_189 : i32
        %while3A = arith.constant 0 : i32
        %while3A_212 = arith.subi %select_n3A_211, %select_n3A : i32
        %while3A_213 = arith.addi %select_n3A, %while3A_212 : i32
        %while3A_214 = arith.constant 1 : i32
        %while3A_215 = arith.divsi %while3A_212, %while3A_214 : i32
        %while3A_216 = arith.muli %while3A_215, %while3A_214 : i32
        %while3A_217 = arith.addi %select_n3A, %while3A_216 : i32
        %while3A_218 = arith.constant 1 : i32
        scf.for %while3A_220 = %select_n3A to %while3A_217 step %while3A_218  : i32 {
          %mul3A_221 = arith.constant 16 : i32
          %mul3A_222 = arith.muli %while3A_220, %mul3A_221 : i32
          %get3A = arith.index_cast %mul3A_222 : i32 to index
          %get3A_223 = tpu.vector_load %arg7[%get3A] {strides = array<i32>} : memref<4112xi32, #tpu.memory_space<vmem>>, vector<16xi32>,
          %get3A_224 = arith.index_cast %mul3A_222 : i32 to index
          %get3A_225 = tpu.vector_load %arg8[%get3A_224] {strides = array<i32>} : memref<4112xi32, #tpu.memory_space<vmem>>, vector<16xi32>,
          %add3A_226 = vector.broadcast %mul3A_222 : i32 to vector<16xi32>
          %add3A_227 = arith.addi %add3A_226, %iota3A : vector<16xi32>
          %ge3A_228 = vector.broadcast %scan3A_30 : i32 to vector<16xi32>
          %ge3A_229 = arith.cmpi sge, %add3A_227, %ge3A_228 : vector<16xi32>
          %lt3A_230 = vector.broadcast %scan3A_36 : i32 to vector<16xi32>
          %lt3A_231 = arith.cmpi slt, %add3A_227, %lt3A_230 : vector<16xi32>
          %and3A_232 = arith.andi %ge3A_229, %lt3A_231 : vector<16xi1>
          %gather3A = tpu.vector_load_idx %arg10[%get3A_223] masked %and3A_232 : memref<49920xf32, #tpu.memory_space<vmem>>[vector<16xi32>], vector<16xf32>, vector<16xi1>
          tpu.vector_store_idx %arg12[%get3A_225], %gather3A masked %and3A_232 : memref<4096xf32, #tpu.memory_space<vmem>>[vector<16xi32>], vector<16xf32>, vector<16xi1>
        }
        %while3A_219 = arith.constant 1 : i32
        scf.for %while3A_220 = %while3A_217 to %while3A_213 step %while3A_219  : i32 {
          %mul3A_221 = arith.constant 16 : i32
          %mul3A_222 = arith.muli %while3A_220, %mul3A_221 : i32
          %get3A = arith.index_cast %mul3A_222 : i32 to index
          %get3A_223 = tpu.vector_load %arg7[%get3A] {strides = array<i32>} : memref<4112xi32, #tpu.memory_space<vmem>>, vector<16xi32>,
          %get3A_224 = arith.index_cast %mul3A_222 : i32 to index
          %get3A_225 = tpu.vector_load %arg8[%get3A_224] {strides = array<i32>} : memref<4112xi32, #tpu.memory_space<vmem>>, vector<16xi32>,
          %add3A_226 = vector.broadcast %mul3A_222 : i32 to vector<16xi32>
          %add3A_227 = arith.addi %add3A_226, %iota3A : vector<16xi32>
          %ge3A_228 = vector.broadcast %scan3A_30 : i32 to vector<16xi32>
          %ge3A_229 = arith.cmpi sge, %add3A_227, %ge3A_228 : vector<16xi32>
          %lt3A_230 = vector.broadcast %scan3A_36 : i32 to vector<16xi32>
          %lt3A_231 = arith.cmpi slt, %add3A_227, %lt3A_230 : vector<16xi32>
          %and3A_232 = arith.andi %ge3A_229, %lt3A_231 : vector<16xi1>
          %gather3A = tpu.vector_load_idx %arg10[%get3A_223] masked %and3A_232 : memref<49920xf32, #tpu.memory_space<vmem>>[vector<16xi32>], vector<16xf32>, vector<16xi1>
          tpu.vector_store_idx %arg12[%get3A_225], %gather3A masked %and3A_232 : memref<4096xf32, #tpu.memory_space<vmem>>[vector<16xi32>], vector<16xf32>, vector<16xi1>
        }
      } else {
      }
      %lt3A_99 = arith.constant 300 : i32
      %lt3A_100 = arith.cmpi slt, %add3A_69, %lt3A_99 : i32
      %convert_element_type3A_101 = arith.extui %lt3A_100 : i1 to i32
      %cond3A_102 = arith.constant 0 : i32
      %cond3A_103 = arith.cmpi ne, %convert_element_type3A_101, %cond3A_102 : i32
      scf.if %cond3A_103 {
        %dma_start3A_158 = arith.constant 0 : i32
        %dma_start3A_159 = tpu.memref_slice %arg3[%add3A_69, %dma_start3A_158] : memref<300x100000xf32, #tpu.memory_space<hbm>> -> memref<1x100000xf32, #tpu.memory_space<hbm>>
        %dma_start3A_160 = tpu.memref_squeeze %dma_start3A_159 : memref<1x100000xf32, #tpu.memory_space<hbm>> -> memref<100000xf32, #tpu.memory_space<hbm>>
        %dma_start3A_161 = arith.constant 49920 : i32
        %dma_start3A_162 = tpu.memref_slice %dma_start3A_160[%dma_start3A_161] : memref<100000xf32, #tpu.memory_space<hbm>> -> memref<49920xf32, #tpu.memory_space<hbm>>
        %dma_start3A_163 = arith.constant 0 : i32
        %dma_start3A_164 = tpu.memref_slice %arg3[%add3A_69, %dma_start3A_163] : memref<300x100000xf32, #tpu.memory_space<hbm>> -> memref<1x100000xf32, #tpu.memory_space<hbm>>
        %dma_start3A_165 = tpu.memref_squeeze %dma_start3A_164 : memref<1x100000xf32, #tpu.memory_space<hbm>> -> memref<100000xf32, #tpu.memory_space<hbm>>
        %dma_start3A_166 = arith.constant 49920 : i32
        %dma_start3A_167 = tpu.memref_slice %dma_start3A_165[%dma_start3A_166] : memref<100000xf32, #tpu.memory_space<hbm>> -> memref<49920xf32, #tpu.memory_space<hbm>>
        tpu.enqueue_dma source(%dma_start3A_167 : memref<49920xf32, #tpu.memory_space<hbm>>) target(%arg10 : memref<49920xf32, #tpu.memory_space<vmem>>) target_semaphore(%arg15 : memref<!tpu.dma_semaphore, #tpu.memory_space<semaphore_mem>>)
      } else {
      }
      %lt3A_104 = arith.constant 300 : i32
      %lt3A_105 = arith.cmpi slt, %add3A_67, %lt3A_104 : i32
      %convert_element_type3A_106 = arith.extui %lt3A_105 : i1 to i32
      %cond3A_107 = arith.constant 0 : i32
      %cond3A_108 = arith.cmpi ne, %convert_element_type3A_106, %cond3A_107 : i32
      scf.if %cond3A_108 {
        %dma_start3A_158 = arith.constant 0 : i32
        %dma_start3A_159 = tpu.memref_slice %arg5[%add3A_67, %dma_start3A_158] : memref<300x4096xf32, #tpu.memory_space<hbm>> -> memref<1x4096xf32, #tpu.memory_space<hbm>>
        %dma_start3A_160 = tpu.memref_squeeze %dma_start3A_159 : memref<1x4096xf32, #tpu.memory_space<hbm>> -> memref<4096xf32, #tpu.memory_space<hbm>>
        %dma_start3A_161 = arith.constant 0 : i32
        %dma_start3A_162 = tpu.memref_slice %arg5[%add3A_67, %dma_start3A_161] : memref<300x4096xf32, #tpu.memory_space<hbm>> -> memref<1x4096xf32, #tpu.memory_space<hbm>>
        %dma_start3A_163 = tpu.memref_squeeze %dma_start3A_162 : memref<1x4096xf32, #tpu.memory_space<hbm>> -> memref<4096xf32, #tpu.memory_space<hbm>>
        tpu.enqueue_dma source(%arg12 : memref<4096xf32, #tpu.memory_space<vmem>>) target(%dma_start3A_163 : memref<4096xf32, #tpu.memory_space<hbm>>) target_semaphore(%arg17 : memref<!tpu.dma_semaphore, #tpu.memory_space<semaphore_mem>>)
      } else {
      }
      %mul3A_109 = arith.constant 2 : i32
      %mul3A_110 = arith.muli %mul3A_109, %scan3A_60 : i32
      %add3A_111 = arith.constant 1 : i32
      %add3A_112 = arith.addi %mul3A_110, %add3A_111 : i32
      %mul3A_113 = arith.constant 32 : i32
      %mul3A_114 = arith.muli %add3A_112, %mul3A_113 : i32
      %add3A_115 = arith.addi %mul3A_114, %add3A : i32
      %add3A_116 = arith.constant 32 : i32
      %add3A_117 = arith.addi %add3A_115, %add3A_116 : i32
      %ge3A_118 = arith.constant 1 : i32
      %ge3A_119 = arith.cmpi sge, %scan3A_60, %ge3A_118 : i32
      %convert_element_type3A_120 = arith.extui %ge3A_119 : i1 to i32
      %cond3A_121 = arith.constant 0 : i32
      %cond3A_122 = arith.cmpi ne, %convert_element_type3A_120, %cond3A_121 : i32
      scf.if %cond3A_122 {
        %dma_wait3A_158 = arith.constant 0 : i32
        %dma_wait3A_159 = arith.constant 0 : i32
        %dma_wait3A_160 = tpu.memref_slice %arg5[%dma_wait3A_158, %dma_wait3A_159] : memref<300x4096xf32, #tpu.memory_space<hbm>> -> memref<1x4096xf32, #tpu.memory_space<hbm>>
        %dma_wait3A_161 = tpu.memref_squeeze %dma_wait3A_160 : memref<1x4096xf32, #tpu.memory_space<hbm>> -> memref<4096xf32, #tpu.memory_space<hbm>>
        %dma_wait3A_162 = arith.constant 0 : i32
        %dma_wait3A_163 = tpu.memref_slice %arg5[%dma_wait3A_158, %dma_wait3A_162] : memref<300x4096xf32, #tpu.memory_space<hbm>> -> memref<1x4096xf32, #tpu.memory_space<hbm>>
        %dma_wait3A_164 = tpu.memref_squeeze %dma_wait3A_163 : memref<1x4096xf32, #tpu.memory_space<hbm>> -> memref<4096xf32, #tpu.memory_space<hbm>>
        tpu.wait_dma2 semaphore(%arg18 : memref<!tpu.dma_semaphore, #tpu.memory_space<semaphore_mem>>) src(%arg13 : memref<4096xf32, #tpu.memory_space<vmem>>) dst(%dma_wait3A_164 : memref<4096xf32, #tpu.memory_space<hbm>>)
      } else {
      }
      %lt3A_123 = arith.constant 300 : i32
      %lt3A_124 = arith.cmpi slt, %add3A_115, %lt3A_123 : i32
      %convert_element_type3A_125 = arith.extui %lt3A_124 : i1 to i32
      %cond3A_126 = arith.constant 0 : i32
      %cond3A_127 = arith.cmpi ne, %convert_element_type3A_125, %cond3A_126 : i32
      scf.if %cond3A_127 {
        %dma_wait3A_158 = arith.constant 0 : i32
        %dma_wait3A_159 = tpu.memref_slice %arg3[%add3A_115, %dma_wait3A_158] : memref<300x100000xf32, #tpu.memory_space<hbm>> -> memref<1x100000xf32, #tpu.memory_space<hbm>>
        %dma_wait3A_160 = tpu.memref_squeeze %dma_wait3A_159 : memref<1x100000xf32, #tpu.memory_space<hbm>> -> memref<100000xf32, #tpu.memory_space<hbm>>
        %dma_wait3A_161 = arith.constant 0 : i32
        %dma_wait3A_162 = tpu.memref_slice %dma_wait3A_160[%dma_wait3A_161] : memref<100000xf32, #tpu.memory_space<hbm>> -> memref<49920xf32, #tpu.memory_space<hbm>>
        %dma_wait3A_163 = arith.constant 0 : i32
        %dma_wait3A_164 = tpu.memref_slice %arg3[%add3A_115, %dma_wait3A_163] : memref<300x100000xf32, #tpu.memory_space<hbm>> -> memref<1x100000xf32, #tpu.memory_space<hbm>>
        %dma_wait3A_165 = tpu.memref_squeeze %dma_wait3A_164 : memref<1x100000xf32, #tpu.memory_space<hbm>> -> memref<100000xf32, #tpu.memory_space<hbm>>
        %dma_wait3A_166 = arith.constant 0 : i32
        %dma_wait3A_167 = tpu.memref_slice %dma_wait3A_165[%dma_wait3A_166] : memref<100000xf32, #tpu.memory_space<hbm>> -> memref<49920xf32, #tpu.memory_space<hbm>>
        tpu.wait_dma2 semaphore(%arg14 : memref<!tpu.dma_semaphore, #tpu.memory_space<semaphore_mem>>) src(%dma_wait3A_167 : memref<49920xf32, #tpu.memory_space<hbm>>) dst(%arg9 : memref<49920xf32, #tpu.memory_space<vmem>>)
        %add3A_168 = arith.constant 16 : i32
        %add3A_169 = arith.addi %scan3A_30, %add3A_168 : i32
        %sub3A = arith.constant 1 : i32
        %sub3A_170 = arith.subi %add3A_169, %sub3A : i32
        %jit3A = arith.constant 16 : i32
        %div3A = arith.divsi %sub3A_170, %jit3A : i32
        %sign3A = arith.constant 0 : i32
        %sign3A_171 = arith.cmpi sgt, %sub3A_170, %sign3A : i32
        %sign3A_172 = arith.extui %sign3A_171 : i1 to i32
        %sign3A_173 = arith.constant 0 : i32
        %sign3A_174 = arith.cmpi slt, %sub3A_170, %sign3A_173 : i32
        %sign3A_175 = arith.extui %sign3A_174 : i1 to i32
        %sign3A_176 = arith.subi %sign3A_172, %sign3A_175 : i32
        %sign3A_177 = arith.constant 0 : i32
        %sign3A_178 = arith.cmpi sgt, %jit3A, %sign3A_177 : i32
        %sign3A_179 = arith.extui %sign3A_178 : i1 to i32
        %sign3A_180 = arith.constant 0 : i32
        %sign3A_181 = arith.cmpi slt, %jit3A, %sign3A_180 : i32
        %sign3A_182 = arith.extui %sign3A_181 : i1 to i32
        %sign3A_183 = arith.subi %sign3A_179, %sign3A_182 : i32
        %ne3A = arith.cmpi ne, %sign3A_176, %sign3A_183 : i32
        %rem3A = arith.remsi %sub3A_170, %jit3A : i32
        %ne3A_184 = arith.constant 0 : i32
        %ne3A_185 = arith.cmpi ne, %rem3A, %ne3A_184 : i32
        %and3A = arith.andi %ne3A, %ne3A_185 : i1
        %sub3A_186 = arith.constant 1 : i32
        %sub3A_187 = arith.subi %div3A, %sub3A_186 : i32
        %select_n3A = arith.select %and3A, %sub3A_187, %div3A : i32
        %while3A = arith.constant 0 : i32
        %while3A_188 = arith.constant 0 : i32
        %while3A_189 = arith.subi %select_n3A, %while3A_188 : i32
        %while3A_190 = arith.addi %while3A_188, %while3A_189 : i32
        %while3A_191 = arith.constant 1 : i32
        %while3A_192 = arith.divsi %while3A_189, %while3A_191 : i32
        %while3A_193 = arith.muli %while3A_192, %while3A_191 : i32
        %while3A_194 = arith.addi %while3A_188, %while3A_193 : i32
        %while3A_195 = arith.constant 1 : i32
        scf.for %while3A_197 = %while3A_188 to %while3A_194 step %while3A_195  : i32 {
          %mul3A_198 = arith.constant 16 : i32
          %mul3A_199 = arith.muli %while3A_197, %mul3A_198 : i32
          %get3A = arith.index_cast %mul3A_199 : i32 to index
          %get3A_200 = tpu.vector_load %arg7[%get3A] {strides = array<i32>} : memref<4112xi32, #tpu.memory_space<vmem>>, vector<16xi32>,
          %get3A_201 = arith.index_cast %mul3A_199 : i32 to index
          %get3A_202 = tpu.vector_load %arg8[%get3A_201] {strides = array<i32>} : memref<4112xi32, #tpu.memory_space<vmem>>, vector<16xi32>,
          %add3A_203 = vector.broadcast %mul3A_199 : i32 to vector<16xi32>
          %add3A_204 = arith.addi %add3A_203, %iota3A : vector<16xi32>
          %ge3A_205 = arith.constant 0 : i32
          %ge3A_206 = vector.broadcast %ge3A_205 : i32 to vector<16xi32>
          %ge3A_207 = arith.cmpi sge, %add3A_204, %ge3A_206 : vector<16xi32>
          %lt3A_208 = vector.broadcast %scan3A_30 : i32 to vector<16xi32>
          %lt3A_209 = arith.cmpi slt, %add3A_204, %lt3A_208 : vector<16xi32>
          %and3A_210 = arith.andi %ge3A_207, %lt3A_209 : vector<16xi1>
          %gather3A = tpu.vector_load_idx %arg9[%get3A_200] masked %and3A_210 : memref<49920xf32, #tpu.memory_space<vmem>>[vector<16xi32>], vector<16xf32>, vector<16xi1>
          tpu.vector_store_idx %arg13[%get3A_202], %gather3A masked %and3A_210 : memref<4096xf32, #tpu.memory_space<vmem>>[vector<16xi32>], vector<16xf32>, vector<16xi1>
        }
        %while3A_196 = arith.constant 1 : i32
        scf.for %while3A_197 = %while3A_194 to %while3A_190 step %while3A_196  : i32 {
          %mul3A_198 = arith.constant 16 : i32
          %mul3A_199 = arith.muli %while3A_197, %mul3A_198 : i32
          %get3A = arith.index_cast %mul3A_199 : i32 to index
          %get3A_200 = tpu.vector_load %arg7[%get3A] {strides = array<i32>} : memref<4112xi32, #tpu.memory_space<vmem>>, vector<16xi32>,
          %get3A_201 = arith.index_cast %mul3A_199 : i32 to index
          %get3A_202 = tpu.vector_load %arg8[%get3A_201] {strides = array<i32>} : memref<4112xi32, #tpu.memory_space<vmem>>, vector<16xi32>,
          %add3A_203 = vector.broadcast %mul3A_199 : i32 to vector<16xi32>
          %add3A_204 = arith.addi %add3A_203, %iota3A : vector<16xi32>
          %ge3A_205 = arith.constant 0 : i32
          %ge3A_206 = vector.broadcast %ge3A_205 : i32 to vector<16xi32>
          %ge3A_207 = arith.cmpi sge, %add3A_204, %ge3A_206 : vector<16xi32>
          %lt3A_208 = vector.broadcast %scan3A_30 : i32 to vector<16xi32>
          %lt3A_209 = arith.cmpi slt, %add3A_204, %lt3A_208 : vector<16xi32>
          %and3A_210 = arith.andi %ge3A_207, %lt3A_209 : vector<16xi1>
          %gather3A = tpu.vector_load_idx %arg9[%get3A_200] masked %and3A_210 : memref<49920xf32, #tpu.memory_space<vmem>>[vector<16xi32>], vector<16xf32>, vector<16xi1>
          tpu.vector_store_idx %arg13[%get3A_202], %gather3A masked %and3A_210 : memref<4096xf32, #tpu.memory_space<vmem>>[vector<16xi32>], vector<16xf32>, vector<16xi1>
        }
      } else {
      }
      %lt3A_128 = arith.constant 300 : i32
      %lt3A_129 = arith.cmpi slt, %add3A_117, %lt3A_128 : i32
      %convert_element_type3A_130 = arith.extui %lt3A_129 : i1 to i32
      %cond3A_131 = arith.constant 0 : i32
      %cond3A_132 = arith.cmpi ne, %convert_element_type3A_130, %cond3A_131 : i32
      scf.if %cond3A_132 {
        %dma_start3A_158 = arith.constant 0 : i32
        %dma_start3A_159 = tpu.memref_slice %arg3[%add3A_117, %dma_start3A_158] : memref<300x100000xf32, #tpu.memory_space<hbm>> -> memref<1x100000xf32, #tpu.memory_space<hbm>>
        %dma_start3A_160 = tpu.memref_squeeze %dma_start3A_159 : memref<1x100000xf32, #tpu.memory_space<hbm>> -> memref<100000xf32, #tpu.memory_space<hbm>>
        %dma_start3A_161 = arith.constant 0 : i32
        %dma_start3A_162 = tpu.memref_slice %dma_start3A_160[%dma_start3A_161] : memref<100000xf32, #tpu.memory_space<hbm>> -> memref<49920xf32, #tpu.memory_space<hbm>>
        %dma_start3A_163 = arith.constant 0 : i32
        %dma_start3A_164 = tpu.memref_slice %arg3[%add3A_117, %dma_start3A_163] : memref<300x100000xf32, #tpu.memory_space<hbm>> -> memref<1x100000xf32, #tpu.memory_space<hbm>>
        %dma_start3A_165 = tpu.memref_squeeze %dma_start3A_164 : memref<1x100000xf32, #tpu.memory_space<hbm>> -> memref<100000xf32, #tpu.memory_space<hbm>>
        %dma_start3A_166 = arith.constant 0 : i32
        %dma_start3A_167 = tpu.memref_slice %dma_start3A_165[%dma_start3A_166] : memref<100000xf32, #tpu.memory_space<hbm>> -> memref<49920xf32, #tpu.memory_space<hbm>>
        tpu.enqueue_dma source(%dma_start3A_167 : memref<49920xf32, #tpu.memory_space<hbm>>) target(%arg9 : memref<49920xf32, #tpu.memory_space<vmem>>) target_semaphore(%arg14 : memref<!tpu.dma_semaphore, #tpu.memory_space<semaphore_mem>>)
      } else {
      }
      %lt3A_133 = arith.constant 300 : i32
      %lt3A_134 = arith.cmpi slt, %add3A_115, %lt3A_133 : i32
      %convert_element_type3A_135 = arith.extui %lt3A_134 : i1 to i32
      %cond3A_136 = arith.constant 0 : i32
      %cond3A_137 = arith.cmpi ne, %convert_element_type3A_135, %cond3A_136 : i32
      scf.if %cond3A_137 {
        %dma_wait3A_158 = arith.constant 0 : i32
        %dma_wait3A_159 = tpu.memref_slice %arg4[%add3A_115, %dma_wait3A_158] : memref<300x160xf32, #tpu.memory_space<hbm>> -> memref<1x160xf32, #tpu.memory_space<hbm>>
        %dma_wait3A_160 = tpu.memref_squeeze %dma_wait3A_159 : memref<1x160xf32, #tpu.memory_space<hbm>> -> memref<160xf32, #tpu.memory_space<hbm>>
        %dma_wait3A_161 = arith.constant 0 : i32
        %dma_wait3A_162 = tpu.memref_slice %arg4[%add3A_115, %dma_wait3A_161] : memref<300x160xf32, #tpu.memory_space<hbm>> -> memref<1x160xf32, #tpu.memory_space<hbm>>
        %dma_wait3A_163 = tpu.memref_squeeze %dma_wait3A_162 : memref<1x160xf32, #tpu.memory_space<hbm>> -> memref<160xf32, #tpu.memory_space<hbm>>
        tpu.wait_dma2 semaphore(%arg16 : memref<!tpu.dma_semaphore, #tpu.memory_space<semaphore_mem>>) src(%dma_wait3A_163 : memref<160xf32, #tpu.memory_space<hbm>>) dst(%arg11 : memref<160xf32, #tpu.memory_space<vmem>>)
        %jit3A = arith.constant 16 : i32
        %div3A = arith.divsi %scan3A_36, %jit3A : i32
        %sign3A = arith.constant 0 : i32
        %sign3A_164 = arith.cmpi sgt, %scan3A_36, %sign3A : i32
        %sign3A_165 = arith.extui %sign3A_164 : i1 to i32
        %sign3A_166 = arith.constant 0 : i32
        %sign3A_167 = arith.cmpi slt, %scan3A_36, %sign3A_166 : i32
        %sign3A_168 = arith.extui %sign3A_167 : i1 to i32
        %sign3A_169 = arith.subi %sign3A_165, %sign3A_168 : i32
        %sign3A_170 = arith.constant 0 : i32
        %sign3A_171 = arith.cmpi sgt, %jit3A, %sign3A_170 : i32
        %sign3A_172 = arith.extui %sign3A_171 : i1 to i32
        %sign3A_173 = arith.constant 0 : i32
        %sign3A_174 = arith.cmpi slt, %jit3A, %sign3A_173 : i32
        %sign3A_175 = arith.extui %sign3A_174 : i1 to i32
        %sign3A_176 = arith.subi %sign3A_172, %sign3A_175 : i32
        %ne3A = arith.cmpi ne, %sign3A_169, %sign3A_176 : i32
        %rem3A = arith.remsi %scan3A_36, %jit3A : i32
        %ne3A_177 = arith.constant 0 : i32
        %ne3A_178 = arith.cmpi ne, %rem3A, %ne3A_177 : i32
        %and3A = arith.andi %ne3A, %ne3A_178 : i1
        %sub3A = arith.constant 1 : i32
        %sub3A_179 = arith.subi %div3A, %sub3A : i32
        %select_n3A = arith.select %and3A, %sub3A_179, %div3A : i32
        %while3A = arith.constant 0 : i32
        %while3A_180 = arith.constant 256 : i32
        %while3A_181 = arith.subi %while3A_180, %select_n3A : i32
        %while3A_182 = arith.addi %select_n3A, %while3A_181 : i32
        %while3A_183 = arith.constant 1 : i32
        %while3A_184 = arith.divsi %while3A_181, %while3A_183 : i32
        %while3A_185 = arith.muli %while3A_184, %while3A_183 : i32
        %while3A_186 = arith.addi %select_n3A, %while3A_185 : i32
        %while3A_187 = arith.constant 1 : i32
        scf.for %while3A_189 = %select_n3A to %while3A_186 step %while3A_187  : i32 {
          %mul3A_190 = arith.constant 16 : i32
          %mul3A_191 = arith.muli %while3A_189, %mul3A_190 : i32
          %get3A = arith.index_cast %mul3A_191 : i32 to index
          %get3A_192 = tpu.vector_load %arg7[%get3A] {strides = array<i32>} : memref<4112xi32, #tpu.memory_space<vmem>>, vector<16xi32>,
          %get3A_193 = arith.index_cast %mul3A_191 : i32 to index
          %get3A_194 = tpu.vector_load %arg8[%get3A_193] {strides = array<i32>} : memref<4112xi32, #tpu.memory_space<vmem>>, vector<16xi32>,
          %add3A_195 = vector.broadcast %mul3A_191 : i32 to vector<16xi32>
          %add3A_196 = arith.addi %add3A_195, %iota3A : vector<16xi32>
          %ge3A_197 = vector.broadcast %scan3A_36 : i32 to vector<16xi32>
          %ge3A_198 = arith.cmpi sge, %add3A_196, %ge3A_197 : vector<16xi32>
          %lt3A_199 = arith.constant 4096 : i32
          %lt3A_200 = vector.broadcast %lt3A_199 : i32 to vector<16xi32>
          %lt3A_201 = arith.cmpi slt, %add3A_196, %lt3A_200 : vector<16xi32>
          %and3A_202 = arith.andi %ge3A_198, %lt3A_201 : vector<16xi1>
          %gather3A = tpu.vector_load_idx %arg11[%get3A_192] masked %and3A_202 : memref<160xf32, #tpu.memory_space<vmem>>[vector<16xi32>], vector<16xf32>, vector<16xi1>
          tpu.vector_store_idx %arg13[%get3A_194], %gather3A masked %and3A_202 : memref<4096xf32, #tpu.memory_space<vmem>>[vector<16xi32>], vector<16xf32>, vector<16xi1>
        }
        %while3A_188 = arith.constant 1 : i32
        scf.for %while3A_189 = %while3A_186 to %while3A_182 step %while3A_188  : i32 {
          %mul3A_190 = arith.constant 16 : i32
          %mul3A_191 = arith.muli %while3A_189, %mul3A_190 : i32
          %get3A = arith.index_cast %mul3A_191 : i32 to index
          %get3A_192 = tpu.vector_load %arg7[%get3A] {strides = array<i32>} : memref<4112xi32, #tpu.memory_space<vmem>>, vector<16xi32>,
          %get3A_193 = arith.index_cast %mul3A_191 : i32 to index
          %get3A_194 = tpu.vector_load %arg8[%get3A_193] {strides = array<i32>} : memref<4112xi32, #tpu.memory_space<vmem>>, vector<16xi32>,
          %add3A_195 = vector.broadcast %mul3A_191 : i32 to vector<16xi32>
          %add3A_196 = arith.addi %add3A_195, %iota3A : vector<16xi32>
          %ge3A_197 = vector.broadcast %scan3A_36 : i32 to vector<16xi32>
          %ge3A_198 = arith.cmpi sge, %add3A_196, %ge3A_197 : vector<16xi32>
          %lt3A_199 = arith.constant 4096 : i32
          %lt3A_200 = vector.broadcast %lt3A_199 : i32 to vector<16xi32>
          %lt3A_201 = arith.cmpi slt, %add3A_196, %lt3A_200 : vector<16xi32>
          %and3A_202 = arith.andi %ge3A_198, %lt3A_201 : vector<16xi1>
          %gather3A = tpu.vector_load_idx %arg11[%get3A_192] masked %and3A_202 : memref<160xf32, #tpu.memory_space<vmem>>[vector<16xi32>], vector<16xf32>, vector<16xi1>
          tpu.vector_store_idx %arg13[%get3A_194], %gather3A masked %and3A_202 : memref<4096xf32, #tpu.memory_space<vmem>>[vector<16xi32>], vector<16xf32>, vector<16xi1>
        }
      } else {
      }
      %lt3A_138 = arith.constant 300 : i32
      %lt3A_139 = arith.cmpi slt, %add3A_117, %lt3A_138 : i32
      %convert_element_type3A_140 = arith.extui %lt3A_139 : i1 to i32
      %cond3A_141 = arith.constant 0 : i32
      %cond3A_142 = arith.cmpi ne, %convert_element_type3A_140, %cond3A_141 : i32
      scf.if %cond3A_142 {
        %dma_start3A_158 = arith.constant 0 : i32
        %dma_start3A_159 = tpu.memref_slice %arg4[%add3A_117, %dma_start3A_158] : memref<300x160xf32, #tpu.memory_space<hbm>> -> memref<1x160xf32, #tpu.memory_space<hbm>>
        %dma_start3A_160 = tpu.memref_squeeze %dma_start3A_159 : memref<1x160xf32, #tpu.memory_space<hbm>> -> memref<160xf32, #tpu.memory_space<hbm>>
        %dma_start3A_161 = arith.constant 0 : i32
        %dma_start3A_162 = tpu.memref_slice %arg4[%add3A_117, %dma_start3A_161] : memref<300x160xf32, #tpu.memory_space<hbm>> -> memref<1x160xf32, #tpu.memory_space<hbm>>
        %dma_start3A_163 = tpu.memref_squeeze %dma_start3A_162 : memref<1x160xf32, #tpu.memory_space<hbm>> -> memref<160xf32, #tpu.memory_space<hbm>>
        tpu.enqueue_dma source(%dma_start3A_163 : memref<160xf32, #tpu.memory_space<hbm>>) target(%arg11 : memref<160xf32, #tpu.memory_space<vmem>>) target_semaphore(%arg16 : memref<!tpu.dma_semaphore, #tpu.memory_space<semaphore_mem>>)
      } else {
      }
      %lt3A_143 = arith.constant 300 : i32
      %lt3A_144 = arith.cmpi slt, %add3A_115, %lt3A_143 : i32
      %convert_element_type3A_145 = arith.extui %lt3A_144 : i1 to i32
      %cond3A_146 = arith.constant 0 : i32
      %cond3A_147 = arith.cmpi ne, %convert_element_type3A_145, %cond3A_146 : i32
      scf.if %cond3A_147 {
        %dma_wait3A_158 = arith.constant 0 : i32
        %dma_wait3A_159 = tpu.memref_slice %arg3[%add3A_115, %dma_wait3A_158] : memref<300x100000xf32, #tpu.memory_space<hbm>> -> memref<1x100000xf32, #tpu.memory_space<hbm>>
        %dma_wait3A_160 = tpu.memref_squeeze %dma_wait3A_159 : memref<1x100000xf32, #tpu.memory_space<hbm>> -> memref<100000xf32, #tpu.memory_space<hbm>>
        %dma_wait3A_161 = arith.constant 49920 : i32
        %dma_wait3A_162 = tpu.memref_slice %dma_wait3A_160[%dma_wait3A_161] : memref<100000xf32, #tpu.memory_space<hbm>> -> memref<49920xf32, #tpu.memory_space<hbm>>
        %dma_wait3A_163 = arith.constant 0 : i32
        %dma_wait3A_164 = tpu.memref_slice %arg3[%add3A_115, %dma_wait3A_163] : memref<300x100000xf32, #tpu.memory_space<hbm>> -> memref<1x100000xf32, #tpu.memory_space<hbm>>
        %dma_wait3A_165 = tpu.memref_squeeze %dma_wait3A_164 : memref<1x100000xf32, #tpu.memory_space<hbm>> -> memref<100000xf32, #tpu.memory_space<hbm>>
        %dma_wait3A_166 = arith.constant 49920 : i32
        %dma_wait3A_167 = tpu.memref_slice %dma_wait3A_165[%dma_wait3A_166] : memref<100000xf32, #tpu.memory_space<hbm>> -> memref<49920xf32, #tpu.memory_space<hbm>>
        tpu.wait_dma2 semaphore(%arg15 : memref<!tpu.dma_semaphore, #tpu.memory_space<semaphore_mem>>) src(%dma_wait3A_167 : memref<49920xf32, #tpu.memory_space<hbm>>) dst(%arg10 : memref<49920xf32, #tpu.memory_space<vmem>>)
        %jit3A = arith.constant 16 : i32
        %div3A = arith.divsi %scan3A_30, %jit3A : i32
        %sign3A = arith.constant 0 : i32
        %sign3A_168 = arith.cmpi sgt, %scan3A_30, %sign3A : i32
        %sign3A_169 = arith.extui %sign3A_168 : i1 to i32
        %sign3A_170 = arith.constant 0 : i32
        %sign3A_171 = arith.cmpi slt, %scan3A_30, %sign3A_170 : i32
        %sign3A_172 = arith.extui %sign3A_171 : i1 to i32
        %sign3A_173 = arith.subi %sign3A_169, %sign3A_172 : i32
        %sign3A_174 = arith.constant 0 : i32
        %sign3A_175 = arith.cmpi sgt, %jit3A, %sign3A_174 : i32
        %sign3A_176 = arith.extui %sign3A_175 : i1 to i32
        %sign3A_177 = arith.constant 0 : i32
        %sign3A_178 = arith.cmpi slt, %jit3A, %sign3A_177 : i32
        %sign3A_179 = arith.extui %sign3A_178 : i1 to i32
        %sign3A_180 = arith.subi %sign3A_176, %sign3A_179 : i32
        %ne3A = arith.cmpi ne, %sign3A_173, %sign3A_180 : i32
        %rem3A = arith.remsi %scan3A_30, %jit3A : i32
        %ne3A_181 = arith.constant 0 : i32
        %ne3A_182 = arith.cmpi ne, %rem3A, %ne3A_181 : i32
        %and3A = arith.andi %ne3A, %ne3A_182 : i1
        %sub3A = arith.constant 1 : i32
        %sub3A_183 = arith.subi %div3A, %sub3A : i32
        %select_n3A = arith.select %and3A, %sub3A_183, %div3A : i32
        %add3A_184 = arith.constant 16 : i32
        %add3A_185 = arith.addi %scan3A_36, %add3A_184 : i32
        %sub3A_186 = arith.constant 1 : i32
        %sub3A_187 = arith.subi %add3A_185, %sub3A_186 : i32
        %jit3A_188 = arith.constant 16 : i32
        %div3A_189 = arith.divsi %sub3A_187, %jit3A_188 : i32
        %sign3A_190 = arith.constant 0 : i32
        %sign3A_191 = arith.cmpi sgt, %sub3A_187, %sign3A_190 : i32
        %sign3A_192 = arith.extui %sign3A_191 : i1 to i32
        %sign3A_193 = arith.constant 0 : i32
        %sign3A_194 = arith.cmpi slt, %sub3A_187, %sign3A_193 : i32
        %sign3A_195 = arith.extui %sign3A_194 : i1 to i32
        %sign3A_196 = arith.subi %sign3A_192, %sign3A_195 : i32
        %sign3A_197 = arith.constant 0 : i32
        %sign3A_198 = arith.cmpi sgt, %jit3A_188, %sign3A_197 : i32
        %sign3A_199 = arith.extui %sign3A_198 : i1 to i32
        %sign3A_200 = arith.constant 0 : i32
        %sign3A_201 = arith.cmpi slt, %jit3A_188, %sign3A_200 : i32
        %sign3A_202 = arith.extui %sign3A_201 : i1 to i32
        %sign3A_203 = arith.subi %sign3A_199, %sign3A_202 : i32
        %ne3A_204 = arith.cmpi ne, %sign3A_196, %sign3A_203 : i32
        %rem3A_205 = arith.remsi %sub3A_187, %jit3A_188 : i32
        %ne3A_206 = arith.constant 0 : i32
        %ne3A_207 = arith.cmpi ne, %rem3A_205, %ne3A_206 : i32
        %and3A_208 = arith.andi %ne3A_204, %ne3A_207 : i1
        %sub3A_209 = arith.constant 1 : i32
        %sub3A_210 = arith.subi %div3A_189, %sub3A_209 : i32
        %select_n3A_211 = arith.select %and3A_208, %sub3A_210, %div3A_189 : i32
        %while3A = arith.constant 0 : i32
        %while3A_212 = arith.subi %select_n3A_211, %select_n3A : i32
        %while3A_213 = arith.addi %select_n3A, %while3A_212 : i32
        %while3A_214 = arith.constant 1 : i32
        %while3A_215 = arith.divsi %while3A_212, %while3A_214 : i32
        %while3A_216 = arith.muli %while3A_215, %while3A_214 : i32
        %while3A_217 = arith.addi %select_n3A, %while3A_216 : i32
        %while3A_218 = arith.constant 1 : i32
        scf.for %while3A_220 = %select_n3A to %while3A_217 step %while3A_218  : i32 {
          %mul3A_221 = arith.constant 16 : i32
          %mul3A_222 = arith.muli %while3A_220, %mul3A_221 : i32
          %get3A = arith.index_cast %mul3A_222 : i32 to index
          %get3A_223 = tpu.vector_load %arg7[%get3A] {strides = array<i32>} : memref<4112xi32, #tpu.memory_space<vmem>>, vector<16xi32>,
          %get3A_224 = arith.index_cast %mul3A_222 : i32 to index
          %get3A_225 = tpu.vector_load %arg8[%get3A_224] {strides = array<i32>} : memref<4112xi32, #tpu.memory_space<vmem>>, vector<16xi32>,
          %add3A_226 = vector.broadcast %mul3A_222 : i32 to vector<16xi32>
          %add3A_227 = arith.addi %add3A_226, %iota3A : vector<16xi32>
          %ge3A_228 = vector.broadcast %scan3A_30 : i32 to vector<16xi32>
          %ge3A_229 = arith.cmpi sge, %add3A_227, %ge3A_228 : vector<16xi32>
          %lt3A_230 = vector.broadcast %scan3A_36 : i32 to vector<16xi32>
          %lt3A_231 = arith.cmpi slt, %add3A_227, %lt3A_230 : vector<16xi32>
          %and3A_232 = arith.andi %ge3A_229, %lt3A_231 : vector<16xi1>
          %gather3A = tpu.vector_load_idx %arg10[%get3A_223] masked %and3A_232 : memref<49920xf32, #tpu.memory_space<vmem>>[vector<16xi32>], vector<16xf32>, vector<16xi1>
          tpu.vector_store_idx %arg13[%get3A_225], %gather3A masked %and3A_232 : memref<4096xf32, #tpu.memory_space<vmem>>[vector<16xi32>], vector<16xf32>, vector<16xi1>
        }
        %while3A_219 = arith.constant 1 : i32
        scf.for %while3A_220 = %while3A_217 to %while3A_213 step %while3A_219  : i32 {
          %mul3A_221 = arith.constant 16 : i32
          %mul3A_222 = arith.muli %while3A_220, %mul3A_221 : i32
          %get3A = arith.index_cast %mul3A_222 : i32 to index
          %get3A_223 = tpu.vector_load %arg7[%get3A] {strides = array<i32>} : memref<4112xi32, #tpu.memory_space<vmem>>, vector<16xi32>,
          %get3A_224 = arith.index_cast %mul3A_222 : i32 to index
          %get3A_225 = tpu.vector_load %arg8[%get3A_224] {strides = array<i32>} : memref<4112xi32, #tpu.memory_space<vmem>>, vector<16xi32>,
          %add3A_226 = vector.broadcast %mul3A_222 : i32 to vector<16xi32>
          %add3A_227 = arith.addi %add3A_226, %iota3A : vector<16xi32>
          %ge3A_228 = vector.broadcast %scan3A_30 : i32 to vector<16xi32>
          %ge3A_229 = arith.cmpi sge, %add3A_227, %ge3A_228 : vector<16xi32>
          %lt3A_230 = vector.broadcast %scan3A_36 : i32 to vector<16xi32>
          %lt3A_231 = arith.cmpi slt, %add3A_227, %lt3A_230 : vector<16xi32>
          %and3A_232 = arith.andi %ge3A_229, %lt3A_231 : vector<16xi1>
          %gather3A = tpu.vector_load_idx %arg10[%get3A_223] masked %and3A_232 : memref<49920xf32, #tpu.memory_space<vmem>>[vector<16xi32>], vector<16xf32>, vector<16xi1>
          tpu.vector_store_idx %arg13[%get3A_225], %gather3A masked %and3A_232 : memref<4096xf32, #tpu.memory_space<vmem>>[vector<16xi32>], vector<16xf32>, vector<16xi1>
        }
      } else {
      }
      %lt3A_148 = arith.constant 300 : i32
      %lt3A_149 = arith.cmpi slt, %add3A_117, %lt3A_148 : i32
      %convert_element_type3A_150 = arith.extui %lt3A_149 : i1 to i32
      %cond3A_151 = arith.constant 0 : i32
      %cond3A_152 = arith.cmpi ne, %convert_element_type3A_150, %cond3A_151 : i32
      scf.if %cond3A_152 {
        %dma_start3A_158 = arith.constant 0 : i32
        %dma_start3A_159 = tpu.memref_slice %arg3[%add3A_117, %dma_start3A_158] : memref<300x100000xf32, #tpu.memory_space<hbm>> -> memref<1x100000xf32, #tpu.memory_space<hbm>>
        %dma_start3A_160 = tpu.memref_squeeze %dma_start3A_159 : memref<1x100000xf32, #tpu.memory_space<hbm>> -> memref<100000xf32, #tpu.memory_space<hbm>>
        %dma_start3A_161 = arith.constant 49920 : i32
        %dma_start3A_162 = tpu.memref_slice %dma_start3A_160[%dma_start3A_161] : memref<100000xf32, #tpu.memory_space<hbm>> -> memref<49920xf32, #tpu.memory_space<hbm>>
        %dma_start3A_163 = arith.constant 0 : i32
        %dma_start3A_164 = tpu.memref_slice %arg3[%add3A_117, %dma_start3A_163] : memref<300x100000xf32, #tpu.memory_space<hbm>> -> memref<1x100000xf32, #tpu.memory_space<hbm>>
        %dma_start3A_165 = tpu.memref_squeeze %dma_start3A_164 : memref<1x100000xf32, #tpu.memory_space<hbm>> -> memref<100000xf32, #tpu.memory_space<hbm>>
        %dma_start3A_166 = arith.constant 49920 : i32
        %dma_start3A_167 = tpu.memref_slice %dma_start3A_165[%dma_start3A_166] : memref<100000xf32, #tpu.memory_space<hbm>> -> memref<49920xf32, #tpu.memory_space<hbm>>
        tpu.enqueue_dma source(%dma_start3A_167 : memref<49920xf32, #tpu.memory_space<hbm>>) target(%arg10 : memref<49920xf32, #tpu.memory_space<vmem>>) target_semaphore(%arg15 : memref<!tpu.dma_semaphore, #tpu.memory_space<semaphore_mem>>)
      } else {
      }
      %lt3A_153 = arith.constant 300 : i32
      %lt3A_154 = arith.cmpi slt, %add3A_115, %lt3A_153 : i32
      %convert_element_type3A_155 = arith.extui %lt3A_154 : i1 to i32
      %cond3A_156 = arith.constant 0 : i32
      %cond3A_157 = arith.cmpi ne, %convert_element_type3A_155, %cond3A_156 : i32
      scf.if %cond3A_157 {
        %dma_start3A_158 = arith.constant 0 : i32
        %dma_start3A_159 = tpu.memref_slice %arg5[%add3A_115, %dma_start3A_158] : memref<300x4096xf32, #tpu.memory_space<hbm>> -> memref<1x4096xf32, #tpu.memory_space<hbm>>
        %dma_start3A_160 = tpu.memref_squeeze %dma_start3A_159 : memref<1x4096xf32, #tpu.memory_space<hbm>> -> memref<4096xf32, #tpu.memory_space<hbm>>
        %dma_start3A_161 = arith.constant 0 : i32
        %dma_start3A_162 = tpu.memref_slice %arg5[%add3A_115, %dma_start3A_161] : memref<300x4096xf32, #tpu.memory_space<hbm>> -> memref<1x4096xf32, #tpu.memory_space<hbm>>
        %dma_start3A_163 = tpu.memref_squeeze %dma_start3A_162 : memref<1x4096xf32, #tpu.memory_space<hbm>> -> memref<4096xf32, #tpu.memory_space<hbm>>
        tpu.enqueue_dma source(%arg13 : memref<4096xf32, #tpu.memory_space<vmem>>) target(%dma_start3A_163 : memref<4096xf32, #tpu.memory_space<hbm>>) target_semaphore(%arg18 : memref<!tpu.dma_semaphore, #tpu.memory_space<semaphore_mem>>)
      } else {
      }
    }
    %scan3A_49 = arith.constant 5 : i32
    %dma_wait3A = arith.constant 0 : i32
    %dma_wait3A_50 = arith.constant 0 : i32
    %dma_wait3A_51 = tpu.memref_slice %arg5[%dma_wait3A, %dma_wait3A_50] : memref<300x4096xf32, #tpu.memory_space<hbm>> -> memref<1x4096xf32, #tpu.memory_space<hbm>>
    %dma_wait3A_52 = tpu.memref_squeeze %dma_wait3A_51 : memref<1x4096xf32, #tpu.memory_space<hbm>> -> memref<4096xf32, #tpu.memory_space<hbm>>
    %dma_wait3A_53 = arith.constant 0 : i32
    %dma_wait3A_54 = tpu.memref_slice %arg5[%dma_wait3A, %dma_wait3A_53] : memref<300x4096xf32, #tpu.memory_space<hbm>> -> memref<1x4096xf32, #tpu.memory_space<hbm>>
    %dma_wait3A_55 = tpu.memref_squeeze %dma_wait3A_54 : memref<1x4096xf32, #tpu.memory_space<hbm>> -> memref<4096xf32, #tpu.memory_space<hbm>>
    tpu.wait_dma2 semaphore(%arg17 : memref<!tpu.dma_semaphore, #tpu.memory_space<semaphore_mem>>) src(%arg12 : memref<4096xf32, #tpu.memory_space<vmem>>) dst(%dma_wait3A_55 : memref<4096xf32, #tpu.memory_space<hbm>>)
    %add3A_56 = arith.constant 288 : i32
    %add3A_57 = arith.addi %add3A_56, %add3A : i32
    %lt3A = arith.constant 300 : i32
    %lt3A_58 = arith.cmpi slt, %add3A_57, %lt3A : i32
    %convert_element_type3A = arith.extui %lt3A_58 : i1 to i32
    %cond3A = arith.constant 0 : i32
    %cond3A_59 = arith.cmpi ne, %convert_element_type3A, %cond3A : i32
    scf.if %cond3A_59 {
      %dma_wait3A_60 = arith.constant 0 : i32
      %dma_wait3A_61 = arith.constant 0 : i32
      %dma_wait3A_62 = tpu.memref_slice %arg5[%dma_wait3A_60, %dma_wait3A_61] : memref<300x4096xf32, #tpu.memory_space<hbm>> -> memref<1x4096xf32, #tpu.memory_space<hbm>>
      %dma_wait3A_63 = tpu.memref_squeeze %dma_wait3A_62 : memref<1x4096xf32, #tpu.memory_space<hbm>> -> memref<4096xf32, #tpu.memory_space<hbm>>
      %dma_wait3A_64 = arith.constant 0 : i32
      %dma_wait3A_65 = tpu.memref_slice %arg5[%dma_wait3A_60, %dma_wait3A_64] : memref<300x4096xf32, #tpu.memory_space<hbm>> -> memref<1x4096xf32, #tpu.memory_space<hbm>>
      %dma_wait3A_66 = tpu.memref_squeeze %dma_wait3A_65 : memref<1x4096xf32, #tpu.memory_space<hbm>> -> memref<4096xf32, #tpu.memory_space<hbm>>
      tpu.wait_dma2 semaphore(%arg18 : memref<!tpu.dma_semaphore, #tpu.memory_space<semaphore_mem>>) src(%arg13 : memref<4096xf32, #tpu.memory_space<vmem>>) dst(%dma_wait3A_66 : memref<4096xf32, #tpu.memory_space<hbm>>)
    } else {
    }
    return
  }
}

</mosaic_0001>

<sc_bundles>
// kernel: kernel.3.cloned.1.call-start
scs
__scs_entry_jumppad:
0x0: {  	(pc) =	sbr.rel $0x88, $3  }
0x1: {  	(tag) =	ssettag $0x0;
	lr =	simm.s32 $0x1  }
0x2: {  	[smem:$0x3F9F] =	sst lr;
	_ =	strace $0xD0000000  }
0x3: {  	_ = 	snop  }
0x4: {  	_ = 	snop  }
0x5: {  	_ = 	snop  }
0x6: {  	_ = 	snop  }
0x7: {  	_ = 	snop  }
__scs_overlays_trampoline_lowered:
0x8: {  	[smem:$0x3FAE] =	sst s0  }
0x9: {  	[smem:$0x3FAF] =	sst s1  }
0xa: {  	[smem:$0x3FB0] =	sst s2  }
0xb: {  	[smem:$0x3FB1] =	sst s3  }
0xc: {  	[smem:$0x3FB2] =	sst s4  }
0xd: {  	[smem:$0x3FB3] =	sst s5  }
0xe: {  	[smem:$0x3FB4] =	sst s6  }
0xf: {  	[smem:$0x3FB5] =	sst s7  }
0x10: {  	[smem:$0x3FB6] =	sst s8  }
0x11: {  	[smem:$0x3FB7] =	sst s9;
	s0 =	simm.s32 @!p0 $0x0  }
0x12: {  	s1 =	sld [smem:$0x3F9D];
	s0 =	simm.s32 @p0 $0x1  }
0x13: {  	[smem:$0x3FB8] =	sst s0;
	s0 =	simm.s32 @!p1 $0x0  }
0x14: {  	s2 =	sld [smem:$0x3F9C];
	s0 =	simm.s32 @p1 $0x1  }
0x15: {  	[smem:$0x3FB9] =	sst s0;
	s0 =	simm.s32 @!p2 $0x0  }
0x16: {  	s3 =	sld [smem:$0x3FDB];
	s0 =	simm.s32 @p2 $0x1  }
0x17: {  	s4 =	simm.s32 $0x1BF5;
	[smem:$0x3FBB] =	sst s0  }
0x18: {  	s0 =	sld [smem:$0x3F9E];
	_ =	swait.ge [sflag:s4], $0x0  }
0x19: {  	s7 =	sld [smem:$0x3F9F]  }
0x1a: {  	s8 =	sadd.s32 $0xFFFFE003, lr  }
0x1b: {  	s9 =	sadd.s32 $0xFFFFFEF7, lr;
	s5 =	simm.s32 $0xFFFFFFFF;
	p2 =	slt.u32 s8, $0xFFFFF086  }
0x1c: {  	p1 =	slt.u32 s9, $0xF7A;
	s5 =	simm.s32 @!p2 $0x0  }
0x1d: {  	s5 =	simm.s32 @p1 $0x1;
	p0 =	seq.s32 s7, s2  }
0x1e: {  	s7 =	smul.u32 @!p0 $0xF7A, s2;
	p2 =	seq.s32 @!p0 s5, $0x0  }
0x1f: {  	s9 =	smul.u32 $0xF7A, s1;
	s8 =	simm.s32 @!p0 $0x1BF5;
	p2 =	por !p2, p0  }
0x20: {  	[sflag:s8] =	ssyncset.s32 @!p0 $0xFFFFF086;
	s6 =	sadd.s32 @!p0 s3, s7;
	s7 =	simm.s32 @!p0 $0x108  }
0x21: {  	s3 =	sadd.s32 s3, s9;
	s6 =	sadd.s32 @!p0 $0x88, s6;
	s7 =	simm.s32 @p2 $0x1082  }
0x22: {  	[simem:s7], [sflag:s8] =	dma.local @!p0 [hbm:s6], $0xF7A  }
0x23: {  	s9 =	sor.u32 $0xD0000000, s2;
	s6 =	simm.s32 $0x108;
	_ =	swait.ge @!p0 [sflag:s8], $0x0  }
0x24: {  	s3 =	sadd.s32 $0x88, s3;
	s6 =	simm.s32 @!p1 $0x1082;
	[sflag:s4] =	ssyncset.s32 $0xFFFFF086  }
0x25: {  	[simem:s6], [sflag:s4] =	dma.local [hbm:s3], $0xF7A  }
0x26: {  	[smem:$0x3F9F] =	sst s1;
	(tag) =	ssettag s2;
	_ =	strace s9  }
0x27: {  	s1 =	sld [smem:$0x3FAF]  }
0x28: {  	s2 =	sld [smem:$0x3FB0]  }
0x29: {  	s4 =	sld [smem:$0x3FB2]  }
0x2a: {  	p0 =	seq.s32 s5, $0x0;
	s5 =	sld [smem:$0x3FB3]  }
0x2b: {  	s6 =	sld [smem:$0x3FB4]  }
0x2c: {  	s7 =	sld [smem:$0x3FB5]  }
0x2d: {  	s3 =	simm.s32 $0x108;
	s8 =	sld [smem:$0x3FB6]  }
0x2e: {  	s3 =	simm.s32 @!p0 $0x1082;
	s9 =	sld [smem:$0x3FB7]  }
0x2f: {  	lr =	sadd.s32 s0, s3;
	s0 =	sld [smem:$0x3FAE]  }
0x30: {  	s3 =	sld [smem:$0x3FB1]  }
0x31: {  	[smem:$0x3FBA] =	sst s10  }
0x32: {  	s10 =	sld [smem:$0x3FB8];
	_ =	sdelay $0x3  }
0x33: {  	p0 =	seq.s32 s10, $0x1;
	s10 =	sld [smem:$0x3FBA];
	_ =	sdelay $0x3  }
0x34: {  	[smem:$0x3FBA] =	sst s10  }
0x35: {  	s10 =	sld [smem:$0x3FB9];
	_ =	sdelay $0x3  }
0x36: {  	p1 =	seq.s32 s10, $0x1;
	s10 =	sld [smem:$0x3FBA];
	_ =	sdelay $0x3  }
0x37: {  	[smem:$0x3FBA] =	sst s10  }
0x38: {  	s10 =	sld [smem:$0x3FBB]  }
0x39: {  	_ = 	snop;
	(pc) =	sbr.ind lr, $3  }
0x3a: {  	_ = 	snop  }
0x3b: {  	_ = 	snop  }
0x3c: {  	p2 =	seq.s32 s10, $0x1;
	s10 =	sld [smem:$0x3FBA]  }
0x3d: {  	_ =	shalt  }
0x3e: {  	_ =	shalt  }
0x3f: {  	_ =	shalt  }
0x40: {  	_ =	shalt  }
0x41: {  	_ =	shalt  }
0x42: {  	_ =	shalt  }
0x43: {  	_ =	shalt  }
0x44: {  	_ =	shalt  }
0x45: {  	_ =	shalt  }
0x46: {  	_ =	shalt  }
0x47: {  	_ =	shalt  }
0x48: {  	_ =	shalt  }
0x49: {  	_ =	shalt  }
0x4a: {  	_ =	shalt  }
0x4b: {  	_ =	shalt  }
0x4c: {  	_ =	shalt  }
0x4d: {  	_ =	shalt  }
0x4e: {  	_ =	shalt  }
0x4f: {  	_ =	shalt  }
0x50: {  	_ =	shalt  }
0x51: {  	_ =	shalt  }
0x52: {  	_ =	shalt  }
0x53: {  	_ =	shalt  }
0x54: {  	_ =	shalt  }
0x55: {  	_ =	shalt  }
0x56: {  	_ =	shalt  }
0x57: {  	_ =	shalt  }
0x58: {  	_ =	shalt  }
0x59: {  	_ =	shalt  }
0x5a: {  	_ =	shalt  }
0x5b: {  	_ =	shalt  }
0x5c: {  	_ =	shalt  }
0x5d: {  	_ =	shalt  }
0x5e: {  	_ =	shalt  }
0x5f: {  	_ =	shalt  }
0x60: {  	_ =	shalt  }
0x61: {  	_ =	shalt  }
0x62: {  	_ =	shalt  }
0x63: {  	_ =	shalt  }
0x64: {  	_ =	shalt  }
0x65: {  	_ =	shalt  }
0x66: {  	_ =	shalt  }
0x67: {  	_ =	shalt  }
0x68: {  	_ =	shalt  }
0x69: {  	_ =	shalt  }
0x6a: {  	_ =	shalt  }
0x6b: {  	_ =	shalt  }
0x6c: {  	_ =	shalt  }
0x6d: {  	_ =	shalt  }
0x6e: {  	_ =	shalt  }
0x6f: {  	_ =	shalt  }
0x70: {  	_ =	shalt  }
0x71: {  	_ =	shalt  }
0x72: {  	_ =	shalt  }
0x73: {  	_ =	shalt  }
0x74: {  	_ =	shalt  }
0x75: {  	_ =	shalt  }
0x76: {  	_ =	shalt  }
0x77: {  	_ =	shalt  }
0x78: {  	_ =	shalt  }
0x79: {  	_ =	shalt  }
0x7a: {  	_ =	shalt  }
0x7b: {  	_ =	shalt  }
0x7c: {  	_ =	shalt  }
0x7d: {  	_ =	shalt  }
0x7e: {  	_ =	shalt  }
0x7f: {  	_ =	shalt  }
0x80: {  	_ =	shalt  }
0x81: {  	_ =	shalt  }
0x82: {  	_ =	shalt  }
0x83: {  	_ =	shalt  }
0x84: {  	_ =	shalt  }
0x85: {  	_ =	shalt  }
0x86: {  	_ =	shalt  }
0x87: {  	_ =	shalt  }
.Lfunc_end0:
.L_simem_size_0:
called_computation_lowered:
.L_overlay_start_0:
0x88: {  	s2 =	sld [smem:$0x3FD9]  }
0x89: {  	s3 =	sld [smem:$0x3FFE];
	_ =	sdelay $0x1  }
0x8a: {  	s1 =	srdreg.scid  }
0x8b: {  	s0 =	sand.u32 $0x1, s1  }
0x8c: {  	s17 =	sshll.u32 s0, $0xA;
	s2 =	sadd.s32 s3, s2  }
0x8d: {  	s2 =	sadd.s32 s2, s17  }
0x8e: {  	[smem:$0x3FC6] =	sst s2  }
0x8f: {  	_ = 	snop  }
0x90: {  	s2 =	sld [smem:$0x3FC9]  }
0x91: {  	s18 =	sld [smem:$0x3FC8]  }
0x92: {  	s4 =	sld [smem:$0x3FD0];
	(tm) =	ssettm $0x1  }
0x93: {  	s5 =	sld [smem:$0x3FFB];
	_ =	sdelay $0x3  }
0x94: {  	_ =	strace s5  }
0x95: {  	s5 =	sld [smem:$0x3FFC];
	_ =	sdelay $0x3  }
0x96: {  	_ =	strace s5  }
0x97: {  	s5 =	sld [smem:$0x3FFD];
	_ =	sdelay $0x3  }
0x98: {  	_ =	strace s5  }
0x99: {  	_ =	strace $0x8FFFFFFF  }
0x9a: {  	s19 =	sld [smem:$0x3FDB];
	_ =	sdelay $0x1  }
0x9b: {  	s6 =	simm.s32 $_scs_section_size  }
0x9c: {  	s7 =	simm.s32 $_size__tile_overlayer_lowered;
	s8 =	simm.s32 $_tile_overlayer_lowered  }
0x9d: {  	s22 =	simm.s32 $0x1BFF;
	s21 =	sshll.u32 s8, $0x1;
	s5 =	sadd.s32 s6, s19  }
0x9e: {  	s9 =	simm.s32 $0x0;
	s20 =	sshll.u32 s7, $0x1;
	s7 =	sadd.s32 s21, s5  }
0x9f: {  	[timem:s9], [sflag:s22] =	dma.local [hbm:s7], s20  }
0xa0: {  	_ =	swait.ge [sflag:s22], s20  }
0xa1: {  	s6 =	ssub.s32 $0x0, s20;
	[sflag:s22] =	ssyncset.done $0x0  }
0xa2: {  	[sflag:s22] =	ssyncadd.s32 s6;
	_ =	sdelay $0x1  }
0xa3: {  	s23 =	simm.s32 $0x1B8B  }
0xa4: {  	_ =	swait.ge [sflag:s23], $0x1  }
0xa5: {  	[sflag:s23] =	ssyncset.done $0x0  }
0xa6: {  	s25 =	simm.s32 $0x1B8E;
	s24 =	sld [smem:$0x3FFE];
	[sflag:s23] =	ssyncadd.s32 $0xFFFFFFFF  }
0xa7: {  	s26 =	simm.s32 $execute0_lowered;
	[smem:$0x3FD2] =	sst s25  }
0xa8: {  	s7 =	sshll.u32 s26, $0x1;
	_ =	strace $0x80000046;
	[dreg:$0x1] =	wrdreg $0xFFFFFFFF  }
0xa9: {  	s28 =	simm.s32 $_size_execute0_lowered;
	s5 =	sadd.s32 s5, s7;
	[dreg:$0x0] =	wrdreg $0x0  }
0xaa: {  	s7 =	sshll.u32 s28, $0x1;
	[dreg:$0x2] =	wrdreg s5  }
0xab: {  	[dreg:$0x3] =	wrdreg s7  }
0xac: {  	[dreg:$0x4] =	wrdreg $0xC0  }
0xad: {  	_ =	task [dreg:s9], $0x5FFFF  }
0xae: {  	[dreg:$0x1] =	wrdreg $0xFFFFFFFF  }
0xaf: {  	[dreg:$0x0] =	wrdreg $0x60  }
0xb0: {  	[dreg:$0x2] =	wrdreg s2  }
0xb1: {  	[dreg:$0x3] =	wrdreg s18  }
0xb2: {  	[dreg:$0x4] =	wrdreg s24  }
0xb3: {  	[dreg:$0x5] =	wrdreg s4  }
0xb4: {  	[dreg:$0x6] =	wrdreg $0x9  }
0xb5: {  	_ =	task.clear_ibuf [dreg:s9], $0x7FFFF;
	_ =	strace $0x90000046  }
0xb6: {  	s29 =	simm.s32 $0x9;
	_ =	strace $0x80000048  }
0xb7: {  	_ =	swait.ge [sflag:s29], $0x1  }
0xb8: {  	[sflag:s29] =	ssyncadd.s32 $0xFFFFFFFF  }
0xb9: {  	_ =	strace $0x90000048  }
0xba: {  	_ =	sfence  }
0xbb: {  	s30 =	sld [smem:$0x0];
	_ =	sdelay $0x2  }
0xbc: {  	s31 =	sshll.u32 s1, $0xD;
	s1 =	sshrl.u32 s1, $0x2  }
0xbd: {  	s3 =	sand.u32 $0x4000, s31;
	s1 =	sadd.s32 s1, s30  }
0xbe: {  	s0 =	sor.u32 s3, s0;
	s1 =	sshll.u32 s1, $0x11  }
0xbf: {  	s0 =	sor.u32 s1, s0  }
0xc0: {  	s0 =	sadd.s32 $0x8F2B, s0  }
0xc1: {  	[sflag:s0] =	ssyncadd.remote.s32 $0x1  }
0xc2: {  	_ =	sfence.sel $0xFFFF  }
0xc3: {  	[dreg:$0x0] =	wrdreg $0xFFFFFFFF;
	(pc) =	sbr.abs _section_cstart, $3  }
0xc4: {  	[dreg:$0x1] =	wrdreg $0xFFFFFFFF  }
0xc5: {  	_ =	task.clear_ibuf [dreg:s9], $0x2FFFF;
	_ =	strace $0x9FFFFFFF  }
0xc6: {  	(tm) =	ssettm $0x7FFFFFFF  }
0xc7: {  	_ =	shalt  }
tec
execute0_lowered:
.L_overlay_start_1:
0x0: {  	(tag) =	ssettag $0x1  }
0x1: {  	s8 =	rddreg [dreg:$0x1]  }
0x2: {  	s0 =	rddreg [dreg:$0x2]  }
0x3: {  	s1 =	rddreg [dreg:$0x3]  }
0x4: {  	s2 =	simm.s32 $0x0;
	s25 =	srdreg.scid;
	s11 =	stileid.u32  }
0x5: {  	s15 =	simm.s32 $0x3100;
	s17 =	simm.s32 $0xF400;
	s18 =	simm.s32 $0x1B700  }
0x6: {  	s19 =	simm.s32 $0x1;
	s20 =	simm.s32 $0x1B800;
	s21 =	simm.s32 $0x3  }
0x7: {  	s22 =	simm.s32 $0x2;
	[smem:$0x7FF] =	sst s2;
	s2 =	sand.u32 $0x1, s25  }
0x8: {  	s3 =	sshll.u32 s11, $0x1;
	s0 =	sadd.s32 $0x400, s0;
	s26 =	sshrl.u32 s11, $0x2  }
0x9: {  	p0 =	sgt.u32 s11, $0x5;
	_ =	strace $0x80000047;
	s9 =	sor.u32 s2, s3  }
0xa: {  	s2 =	ssub.s32 $0x2, s2;
	s5 =	smul.u32 $0xC3800, s26;
	s3 =	sshll.u32 s26, $0xB  }
0xb: {  	s4 =	sshll.u32 s9, $0x7;
	s7 =	sshrl.u32 s2, $0x1;
	[dreg:$0x5] =	wrdreg s9  }
0xc: {  	s28 =	sshll.u32 s9, $0x4;
	s6 =	sand.u32 $0x380, s4;
	s2 =	ssub.s32 s2, s7  }
0xd: {  	s29 =	sand.u32 $0x70, s28;
	s4 =	sor.u32 s5, s6;
	s3 =	sor.u32 s3, s6  }
0xe: {  	s30 =	smax.u32 s2, $0x1;
	s4 =	sshrl.u32 s4, $0x3;
	s3 =	sshrl.u32 s3, $0x3  }
.Ltmp0:
0xf: {  	[dreg:$0x8] =	wrdreg s30;
	s3 =	sadd.s32 s0, s3;
	(pc) =	sbr.rel .LBB2_1-.Ltmp0, $4  }
0x10: {  	s9 =	sadd.s32 s0, s29;
	s4 =	sadd.s32 s8, s4;
	[dreg:$0x7] =	wrdreg s3  }
0x11: {  	s0 =	simm.s32 @!p0 $0x0;
	[dreg:$0x6] =	wrdreg s4;
	s31 =	sadd.s32 $0xC300, s4  }
0x12: {  	s23 =	simm.s32 $0x1C800;
	s0 =	simm.s32 @p0 $0x1;
	[dreg:$0x9] =	wrdreg s31  }
0x13: {  	v0 =	vlaneseq.u32;
	s10 =	sadd.s32 s1, s29;
	s2 =	simm.s32 $0x0;
	[smem:$0x7FD] =	sst s0  }
.LBB2_45:
0x14: {  	s0 =	simm.s32 $0x4  }
0x15: {  	_ =	swait.ge [sflag:s0], $0x1000  }
0x16: {  	s31 =	sld [smem:$0x7FD];
	_ =	sdelay $0x2  }
0x17: {  	[sflag:s0] =	ssyncset.done $0x0;
	p1 =	seq.s32 s31, $0x1  }
0x18: {  	[sflag:s0] =	ssyncadd.s32 $0xFFFFF000;
	s0 =	simm.s32 @!p1 $0x5  }
0x19: {  	_ =	swait.ge @!p1 [sflag:s0], $0x1000  }
0x1a: {  	s2 =	rddreg [dreg:$0xa]  }
0x1b: {  	s1 =	rddreg [dreg:$0x8];
	s2 =	sadd.s32 $0x1, s2  }
0x1c: {  	p0 =	sne.s32 s2, s1  }
.Ltmp1:
0x1d: {  	_ = 	snop;
	(pc) =	sbr.rel @!p0 .LBB2_46-.Ltmp1, $3  }
0x1e: {  	_ =	sdelay $0x1  }
0x1f: {  	[sflag:s0] =	ssyncset.done @!p1 $0x0  }
0x20: {  	[sflag:s0] =	ssyncadd.s32 @!p1 $0xFFFFF000  }
.LBB2_1:
0x21: {  	[dreg:$0xa] =	wrdreg s2  }
0x22: {  	s0 =	rddreg [dreg:$0x0];
	s1 =	simm.s32 $0x0;
	s26 =	simm.s32 $0x6  }
0x23: {  	[tilespmem:s1], [sflag:$0x6] =	stream.linear.gather [hbm4b:s0+s1], $0x1000, $0x38;
	[tilespmem:$0x1D800] =	vst v63  }
0x24: {  	_ =	swait.ge [sflag:s26], $0x1000  }
0x25: {  	s29 =	simm.s32 $0x80;
	[sflag:s26] =	ssyncset.done $0x0  }
0x26: {  	s3 =	simm.s32 $0x400;
	s28 =	rddreg [dreg:$0x6];
	[sflag:s26] =	ssyncadd.s32 $0xFFFFF000  }
0x27: {  	[tilespmem:s15], [sflag:$0x1] =	stream.strided.gather [hbm4b:s28+s29], $0xC300, s3, s29, $0x38;
	[tilespmem:$0x1D800] =	vst v63  }
0x28: {  	s30 =	rddreg [dreg:$0x9]  }
0x29: {  	[tilespmem:s17], [sflag:$0x2] =	stream.strided.gather [hbm4b:s30+s29], $0xC300, s3, s29, $0x38;
	[tilespmem:$0x1D800] =	vst v63  }
0x2a: {  	s31 =	rddreg [dreg:$0x7]  }
0x2b: {  	[tilespmem:s18], [sflag:$0x3] =	stream.strided.gather [hbm4b:s31+s29], $0x100, s3, s29, $0x38;
	[tilespmem:$0x1D800] =	vst v63  }
0x2c: {  	v1 =	vld [tilespmem:s1+$0x0];
	_ =	sdelay $0x4  }
0x2d: {  	vm0 =	vlt.u32 v1, $0xC300  }
0x2e: {  	v2 =	vmpcnt.ones.xlane vm0;
	_ =	sdelay $0x1  }
0x2f: {  	(v2sf) =	vpush v2, $0x0;
	_ =	sdelay $0x5  }
0x30: {  	[tilespmem:s1+$0x1000] =	vst.msk vm0, v1;
	v1 =	vor.u32 s1, v0  }
0x31: {  	s0 =	simm.s32 $0x10;
	[tilespmem:s1+$0x2080] =	vst.msk vm0, v1  }
0x32: {  	s2 =	simm.s32 $0x20;
	s3 =	simm.s32 $0x10;
	s1 =	simm.s32 $0x0;
	v1 =	vld [tilespmem:s0+$0x0]  }
.LBB2_2:
0x33: {  	p1 =	sne.s32 s2, $0xFF0;
	_ =	sdelay $0x3  }
0x34: {  	vm0 =	vlt.u32 v1, $0xC300  }
0x35: {  	v2 =	vmpcnt.ones.xlane vm0  }
0x36: {  	s4 =	spop (v2sf)  }
0x37: {  	(v2sf) =	vpush v2, $0x0;
	s1 =	sadd.s32 s1, s4  }
0x38: {  	v2 =	vor.u32 s0, v0;
	s0 =	smov.u32 s2;
	[tilespmem:s1+$0x1000] =	vst.msk vm0, v1  }
0x39: {  	[tilespmem:s1+$0x2080] =	vst.msk vm0, v2;
	_ =	sdelay $0x1  }
.Ltmp2:
0x3a: {  	(pc) =	sbr.rel @p1 .LBB2_2-.Ltmp2, $3  }
0x3b: {  	_ =	sdelay $0x1  }
0x3c: {  	s3 =	sadd.s32 $0x10, s3  }
0x3d: {  	s2 =	sadd.s32 $0x10, s2;
	v1 =	vld [tilespmem:s3+$0x0]  }
0x3e: {  	_ =	sdelay $0x3  }
0x3f: {  	vm0 =	vlt.u32 v1, $0xC300  }
0x40: {  	v2 =	vmpcnt.ones.xlane vm0  }
0x41: {  	s2 =	spop (v2sf)  }
0x42: {  	(v2sf) =	vpush v2, $0x0;
	s1 =	sadd.s32 s1, s2  }
0x43: {  	v2 =	vor.u32 s0, v0;
	[tilespmem:s1+$0x1000] =	vst.msk vm0, v1  }
0x44: {  	s0 =	simm.s32 $0x0;
	[tilespmem:s1+$0x2080] =	vst.msk vm0, v2  }
0x45: {  	v1 =	vld [tilespmem:s0+$0x0];
	_ =	sdelay $0x4  }
0x46: {  	v1 =	vadd.s32 $0xFFFF3D00, v1  }
0x47: {  	vm15 =	vlt.u32 v1, $0xC300  }
0x48: {  	v2 =	vmpcnt.ones.xlane vm15;
	_ =	sdelay $0x1  }
0x49: {  	(v2sf) =	vpush v2, $0x0;
	_ =	sdelay $0x2  }
0x4a: {  	s31 =	spop (v2sf)  }
0x4b: {  	s7 =	sadd.s32 s1, s31  }
0x4c: {  	[tilespmem:s7+$0x1000] =	vst.msk vm15, v1;
	v1 =	vor.u32 s0, v0  }
0x4d: {  	s1 =	simm.s32 $0x10;
	[tilespmem:s7+$0x2080] =	vst.msk vm15, v1  }
0x4e: {  	s4 =	simm.s32 $0x10;
	s2 =	simm.s32 $0x20;
	s3 =	smov.u32 s7;
	v2 =	vld [tilespmem:s1+$0x0]  }
.LBB2_4:
0x4f: {  	p1 =	seq.s32 s2, $0xFF0;
	_ =	sdelay $0x3  }
0x50: {  	v2 =	vadd.s32 $0xFFFF3D00, v2  }
0x51: {  	vm0 =	vlt.u32 v2, $0xC300  }
0x52: {  	v3 =	vmpcnt.ones.xlane vm0  }
0x53: {  	s5 =	spop (v2sf)  }
0x54: {  	(v2sf) =	vpush v3, $0x0;
	s3 =	sadd.s32 s3, s5  }
0x55: {  	v3 =	vor.u32 s1, v0;
	s1 =	smov.u32 s2;
	[tilespmem:s3+$0x1000] =	vst.msk vm0, v2  }
0x56: {  	[tilespmem:s3+$0x2080] =	vst.msk vm0, v3  }
.Ltmp3:
0x57: {  	(pc) =	sbr.rel @!p1 .LBB2_4-.Ltmp3, $3  }
0x58: {  	_ =	sdelay $0x1  }
0x59: {  	s4 =	sadd.s32 $0x10, s4  }
0x5a: {  	s2 =	sadd.s32 $0x10, s2;
	v2 =	vld [tilespmem:s4+$0x0]  }
0x5b: {  	_ =	sdelay $0x3  }
0x5c: {  	v2 =	vadd.s32 $0xFFFF3D00, v2  }
0x5d: {  	vm0 =	vlt.u32 v2, $0xC300  }
0x5e: {  	v3 =	vmpcnt.ones.xlane vm0  }
0x5f: {  	s2 =	spop (v2sf)  }
0x60: {  	(v2sf) =	vpush v3, $0x0;
	s2 =	sadd.s32 s3, s2  }
0x61: {  	v3 =	vor.u32 s1, v0;
	[tilespmem:s2+$0x1000] =	vst.msk vm0, v2  }
0x62: {  	[tilespmem:s2+$0x2080] =	vst.msk vm0, v3  }
0x63: {  	v2 =	vld [tilespmem:s0+$0x0];
	_ =	sdelay $0x4  }
0x64: {  	v2 =	vadd.s32 $0xFFFE7A00, v2  }
0x65: {  	vm15 =	vlt.u32 v2, $0xA0  }
0x66: {  	v3 =	vmpcnt.ones.xlane vm15;
	_ =	sdelay $0x1  }
0x67: {  	(v2sf) =	vpush v3, $0x0;
	_ =	sdelay $0x2  }
0x68: {  	s31 =	spop (v2sf)  }
0x69: {  	s4 =	sadd.s32 s2, s31  }
0x6a: {  	[tilespmem:s4+$0x1000] =	vst.msk vm15, v2  }
0x6b: {  	s0 =	simm.s32 $0x10;
	[tilespmem:s4+$0x2080] =	vst.msk vm15, v1  }
0x6c: {  	s3 =	simm.s32 $0x10;
	s2 =	simm.s32 $0x20;
	s1 =	smov.u32 s4;
	v1 =	vld [tilespmem:s0+$0x0]  }
.LBB2_6:
0x6d: {  	p1 =	seq.s32 s2, $0xFF0;
	_ =	sdelay $0x3  }
0x6e: {  	v1 =	vadd.s32 $0xFFFE7A00, v1  }
0x6f: {  	vm0 =	vlt.u32 v1, $0xA0  }
0x70: {  	v2 =	vmpcnt.ones.xlane vm0  }
0x71: {  	s5 =	spop (v2sf)  }
0x72: {  	(v2sf) =	vpush v2, $0x0;
	s1 =	sadd.s32 s1, s5  }
0x73: {  	v2 =	vor.u32 s0, v0;
	s0 =	smov.u32 s2;
	[tilespmem:s1+$0x1000] =	vst.msk vm0, v1  }
0x74: {  	[tilespmem:s1+$0x2080] =	vst.msk vm0, v2  }
.Ltmp4:
0x75: {  	(pc) =	sbr.rel @!p1 .LBB2_6-.Ltmp4, $3  }
0x76: {  	_ =	sdelay $0x1  }
0x77: {  	s3 =	sadd.s32 $0x10, s3  }
0x78: {  	s2 =	sadd.s32 $0x10, s2;
	v1 =	vld [tilespmem:s3+$0x0]  }
0x79: {  	_ =	sdelay $0x3  }
0x7a: {  	v1 =	vadd.s32 $0xFFFE7A00, v1  }
0x7b: {  	vm0 =	vlt.u32 v1, $0xA0  }
0x7c: {  	v2 =	vmpcnt.ones.xlane vm0;
	_ =	sdelay $0x1  }
0x7d: {  	s5 =	sand.u32 $0xF, s4;
	s3 =	sshra.s32 s4, $0x1F;
	p6 =	slt.s32 s4, $0x1;
	(v2sf) =	vpush v2, $0x0  }
0x7e: {  	s12 =	sshra.s32 s7, $0x1F;
	s13 =	sand.u32 $0xF, s7;
	p3 =	slt.s32 s7, $0x1  }
0x7f: {  	s14 =	sadd.s32 $0xF, s4;
	p2 =	sne.s32 s5, $0x0;
	s8 =	sshrl.u32 s3, $0x1C  }
0x80: {  	s3 =	simm.s32 $0x1;
	p4 =	sne.s32 s13, $0x0;
	s5 =	sshra.s32 s14, $0x1F  }
0x81: {  	p5 =	slt.s32 s14, $0x1;
	p2 =	por !p6, !p2;
	s2 =	spop (v2sf)  }
0x82: {  	s5 =	sshrl.u32 s5, $0x1C;
	s1 =	sadd.s32 s1, s2;
	v2 =	vor.u32 s0, v0;
	s0 =	sadd.s32 $0xF, s7  }
0x83: {  	s2 =	sadd.s32 s8, s4;
	[tilespmem:s1+$0x1000] =	vst.msk vm0, v1;
	s24 =	sshra.s32 s0, $0x1F;
	s25 =	sand.u32 $0xF, s0  }
0x84: {  	p0 =	slt.s32 s0, $0x1;
	[tilespmem:s1+$0x2080] =	vst.msk vm0, v2;
	s1 =	sshrl.u32 s24, $0x1C;
	p1 =	sne.s32 s25, $0x0  }
0x85: {  	s11 =	sshra.s32 s2, $0x4;
	s1 =	sadd.s32 s1, s0;
	p0 =	por !p0, !p1  }
0x86: {  	s26 =	sshra.s32 s1, $0x4;
	p0 =	por !p0, !p0;
	s1 =	simm.s32 $0x1  }
0x87: {  	s2 =	sadd.s32 s5, s14;
	s5 =	simm.s32 $0x1;
	s1 =	simm.s32 @!p0 $0x0  }
0x88: {  	s2 =	sshra.s32 s2, $0x4;
	p0 =	por !p2, !p2;
	s26 =	ssub.s32 s26, s1  }
0x89: {  	s3 =	simm.s32 @!p0 $0x0;
	s1 =	sshrl.u32 s12, $0x1C;
	p0 =	por !p3, !p4  }
0x8a: {  	s0 =	ssub.s32 s11, s3;
	s1 =	sadd.s32 s1, s7;
	p0 =	por !p0, !p0  }
0x8b: {  	v1 =	vmov s7;
	s3 =	simm.s32 $0x1;
	s7 =	simm.s32 $0x0;
	s1 =	sshra.s32 s1, $0x4  }
0x8c: {  	s3 =	simm.s32 @!p0 $0x0;
	s24 =	sshll.u32 s0, $0x6;
	s16 =	spop (v2sf)  }
0x8d: {  	s30 =	ssub.s32 $0x100, s0;
	p2 =	sgt.s32 s0, $0xFF;
	s16 =	sand.u32 $0xF, s14  }
0x8e: {  	s28 =	ssub.s32 s1, s3;
	s1 =	sshra.s32 s24, $0x2;
	p6 =	sne.s32 s16, $0x0  }
.Ltmp5:
0x8f: {  	s3 =	sshll.u32 s28, $0x6;
	p1 =	por !p5, !p6;
	(pc) =	sbr.rel .LBB2_8-.Ltmp5, $4  }
0x90: {  	s31 =	sadd.s32 $0x1000, s1;
	s11 =	sshll.u32 s28, $0x4;
	p1 =	por !p1, !p1  }
0x91: {  	s25 =	sshra.s32 s3, $0x2;
	s3 =	sshll.u32 s0, $0x4;
	s5 =	simm.s32 @!p1 $0x0  }
0x92: {  	s8 =	sadd.s32 $0x2080, s25;
	p1 =	slt.s32 s26, $0x1;
	s29 =	ssub.s32 s2, s5  }
0x93: {  	v2 =	vmov s4;
	s2 =	sadd.s32 $0x2080, s1;
	s1 =	sadd.s32 $0x1000, s25;
	p3 =	sge.s32 s28, s29  }
.LBB2_43:
0x94: {  	s0 =	sadd.s32 @!p4 $0xC300, s4;
	s4 =	simm.s32 @!p4 $0x80  }
0x95: {  	s5 =	simm.s32 @!p4 $0x400;
	s13 =	simm.s32 @!p4 $0xF400;
	s16 =	sshll.u32 s12, $0x9  }
0x96: {  	[tilespmem:s13], [sflag:$0x2] =	stream.strided.gather @!p4 [hbm4b:s0+s4], $0xC300, s5, s4, $0x38;
	[tilespmem:$0x1D800] =	vst v63  }
0x97: {  	s0 =	sand.u32 $0x3F000, s16  }
0x98: {  	s24 =	simm.s32 $0x80;
	s25 =	simm.s32 $0x400;
	s0 =	sadd.s32 s0, s10  }
0x99: {  	[hbm4b:s0+s24] =	stream.strided.scatter [tilespmem:s23], [sflag:$0x5], $0x1000, s25, s24, $0x38;
	[tilespmem:$0x1D800] =	vst v63  }
.LBB2_44:
0x9a: {  	s7 =	sadd.s32 $0x1, s7  }
0x9b: {  	p0 =	sne.s32 s7, $0x5  }
.Ltmp6:
0x9c: {  	_ = 	snop;
	(pc) =	sbr.rel @!p0 .LBB2_45-.Ltmp6, $1  }
0x9d: {  	_ =	sdelay $0x3  }
.LBB2_8:
0x9e: {  	p4 =	seq.s32 s7, $0x0  }
0x9f: {  	s0 =	simm.s32 @!p4 $0x4  }
0xa0: {  	_ =	swait.ge @!p4 [sflag:s0], $0x1000  }
.Ltmp7:
0xa1: {  	[sflag:s0] =	ssyncset.done @!p4 $0x0;
	(pc) =	sbr.rel @p1 .LBB2_15-.Ltmp7, $4  }
0xa2: {  	[sflag:s0] =	ssyncadd.s32 @!p4 $0xFFFFF000  }
0xa3: {  	_ =	swait.ge [sflag:s19], $0xC300  }
0xa4: {  	[sflag:s19] =	ssyncset.done $0x0  }
0xa5: {  	[sflag:s19] =	ssyncadd.s32 $0xFFFF3D00  }
0xa6: {  	p0 =	sne.s32 s26, $0x1  }
.Ltmp8:
0xa7: {  	_ = 	snop;
	(pc) =	sbr.rel @!p0 .LBB2_10-.Ltmp8, $3  }
0xa8: {  	_ =	sdelay $0x1  }
0xa9: {  	s0 =	simm.s32 $0x1000  }
0xaa: {  	s4 =	simm.s32 $0x2080;
	p5 =	por $0x0, $0x0;
	v3 =	vld [tilespmem:s0+$0x0];
	s0 =	sadd.s32 $0xFFFFFFFF, s26  }
0xab: {  	s5 =	simm.s32 $0x0  }
0xac: {  	v4 =	vor.u32 s5, v0  }
0xad: {  	vm0 =	vlt.s32 v4, v1;
	_ =	sdelay $0x2  }
0xae: {  	v4 =	vld [tilespmem:s4+$0x0];
	_ =	sdelay $0x2  }
0xaf: {  	v3 =	vld.idx.msk [tilespmem:v3+s15+$0x0], vm0  }
0xb0: {  	p0 =	sne.s32 s0, $0x1  }
.Ltmp9:
0xb1: {  	_ = 	snop;
	(pc) =	sbr.rel @!p0 .LBB2_12-.Ltmp9, $3  }
0xb2: {  	_ =	sdelay $0x1  }
0xb3: {  	s13 =	simm.s32 $0x1010;
	s14 =	sadd.s32 $0xFFFFFFFF, s0;
	[tilespmem:v4+s20+$0x0] =	vst.idx.msk vm0, v3  }
0xb4: {  	s0 =	simm.s32 $0x10;
	p5 =	por $0x1, $0x1;
	s12 =	simm.s32 $0x2080;
	v3 =	vld [tilespmem:s13+$0x0]  }
.LBB2_13:
0xb5: {  	p0 =	sne.s32 s14, $0x1;
	v4 =	vor.u32 s0, v0  }
0xb6: {  	vm0 =	vlt.s32 v4, v1;
	_ =	sdelay $0x2  }
0xb7: {  	s12 =	sadd.s32 $0x10, s12  }
0xb8: {  	v4 =	vld [tilespmem:s12+$0x0];
	_ =	sdelay $0x1  }
0xb9: {  	v3 =	vld.idx.msk [tilespmem:v3+s15+$0x0], vm0;
	_ =	sdelay $0x2  }
.Ltmp10:
0xba: {  	(pc) =	sbr.rel @p0 .LBB2_13-.Ltmp10, $3  }
0xbb: {  	_ =	sdelay $0x1  }
0xbc: {  	s13 =	sadd.s32 $0x10, s13;
	[tilespmem:v4+s20+$0x0] =	vst.idx.msk vm0, v3  }
0xbd: {  	s14 =	sadd.s32 $0xFFFFFFFF, s14;
	s0 =	sadd.s32 $0x10, s0;
	v3 =	vld [tilespmem:s13+$0x0]  }
.LBB2_14:
0xbe: {  	_ = 	snop  }
0xbf: {  	v4 =	vor.u32 s0, v0  }
0xc0: {  	vm0 =	vlt.s32 v4, v1  }
0xc1: {  	s0 =	sadd.s32 @p5 $0x10, s12  }
0xc2: {  	s4 =	smov.u32 @p5 s0  }
0xc3: {  	v63 =	vld [tilespmem:s4+$0x0];
	_ =	sdelay $0x2  }
0xc4: {  	v3 =	vld.idx.msk [tilespmem:v3+s15+$0x0], vm0;
	_ =	sdelay $0x4  }
0xc5: {  	[tilespmem:v63+s20+$0x0] =	vst.idx.msk vm0, v3  }
.LBB2_15:
0xc6: {  	s0 =	sshll.u32 s7, $0x6;
	s4 =	rddreg [dreg:$0x5]  }
0xc7: {  	s24 =	sor.u32 s4, s0  }
0xc8: {  	s12 =	sor.u32 $0x20, s24  }
0xc9: {  	p5 =	sgt.u32 s12, $0x12B  }
0xca: {  	s0 =	sshrl.u32 @!p5 s12, $0x3  }
0xcb: {  	s0 =	smul.u32 @!p5 $0xC3800, s0;
	_ =	sdelay $0x1  }
0xcc: {  	s4 =	rddreg [dreg:$0x1];
	s0 =	sor.u32 @!p5 s6, s0  }
0xcd: {  	s25 =	simm.s32 @!p5 $0x80;
	s16 =	simm.s32 @!p5 $0x400;
	s0 =	sshrl.u32 @!p5 s0, $0x3  }
.Ltmp11:
0xce: {  	s4 =	sadd.s32 @!p5 s4, s0;
	s0 =	simm.s32 @!p5 $0x3100;
	(pc) =	sbr.rel @p2 .LBB2_22-.Ltmp11, $4  }
0xcf: {  	[tilespmem:s0], [sflag:$0x1] =	stream.strided.gather @!p5 [hbm4b:s4+s25], $0xC300, s16, s25, $0x38;
	[tilespmem:$0x1D800] =	vst v63  }
0xd0: {  	_ =	swait.ge [sflag:s21], $0x100  }
0xd1: {  	[sflag:s21] =	ssyncset.done $0x0  }
0xd2: {  	[sflag:s21] =	ssyncadd.s32 $0xFFFFFF00  }
0xd3: {  	p0 =	sne.s32 s30, $0x1  }
.Ltmp12:
0xd4: {  	_ = 	snop;
	(pc) =	sbr.rel @!p0 .LBB2_17-.Ltmp12, $2  }
0xd5: {  	_ =	sdelay $0x2  }
0xd6: {  	v3 =	vld [tilespmem:s31+$0x0];
	v4 =	vor.u32 s3, v0;
	s0 =	sadd.s32 $0xFFFFFFFF, s30;
	p6 =	por $0x0, $0x0  }
0xd7: {  	_ = 	snop  }
0xd8: {  	vm0 =	vge.s32 v4, v2;
	vm1 =	vlt.s32 v4, $0x1000  }
0xd9: {  	vm0 =	vmand vm0, vm1;
	_ =	sdelay $0x2  }
0xda: {  	v4 =	vld [tilespmem:s2+$0x0];
	_ =	sdelay $0x2  }
0xdb: {  	v3 =	vld.idx.msk [tilespmem:v3+s18+$0x0], vm0  }
0xdc: {  	p0 =	sne.s32 s0, $0x1  }
.Ltmp13:
0xdd: {  	_ = 	snop;
	(pc) =	sbr.rel @!p0 .LBB2_19-.Ltmp13, $3  }
0xde: {  	_ =	sdelay $0x1  }
0xdf: {  	s13 =	sadd.s32 $0x10, s31;
	s14 =	sadd.s32 $0x10, s3;
	[tilespmem:v4+s20+$0x0] =	vst.idx.msk vm0, v3  }
0xe0: {  	s5 =	sadd.s32 $0xFFFFFFFF, s0;
	p6 =	por $0x1, $0x1;
	s0 =	smov.u32 s2;
	v4 =	vor.u32 s14, v0;
	v3 =	vld [tilespmem:s13+$0x0]  }
.LBB2_20:
0xe1: {  	p0 =	sne.s32 s5, $0x1;
	vm0 =	vge.s32 v4, v2;
	vm1 =	vlt.s32 v4, $0x1000  }
0xe2: {  	vm0 =	vmand vm0, vm1;
	_ =	sdelay $0x2  }
0xe3: {  	s0 =	sadd.s32 $0x10, s0  }
0xe4: {  	v4 =	vld [tilespmem:s0+$0x0];
	_ =	sdelay $0x1  }
0xe5: {  	v3 =	vld.idx.msk [tilespmem:v3+s18+$0x0], vm0;
	_ =	sdelay $0x2  }
.Ltmp14:
0xe6: {  	(pc) =	sbr.rel @p0 .LBB2_20-.Ltmp14, $3  }
0xe7: {  	_ =	sdelay $0x1  }
0xe8: {  	s13 =	sadd.s32 $0x10, s13;
	s14 =	sadd.s32 $0x10, s14;
	[tilespmem:v4+s20+$0x0] =	vst.idx.msk vm0, v3  }
0xe9: {  	s5 =	sadd.s32 $0xFFFFFFFF, s5;
	v4 =	vor.u32 s14, v0;
	v3 =	vld [tilespmem:s13+$0x0]  }
.LBB2_21:
0xea: {  	_ = 	snop  }
0xeb: {  	vm0 =	vge.s32 v4, v2;
	vm1 =	vlt.s32 v4, $0x1000  }
0xec: {  	vm0 =	vmand vm0, vm1  }
0xed: {  	s0 =	sadd.s32 @p6 $0x10, s0;
	s5 =	smov.u32 s2  }
0xee: {  	s5 =	smov.u32 @p6 s0  }
0xef: {  	v63 =	vld [tilespmem:s5+$0x0];
	_ =	sdelay $0x2  }
0xf0: {  	v3 =	vld.idx.msk [tilespmem:v3+s18+$0x0], vm0;
	_ =	sdelay $0x4  }
0xf1: {  	[tilespmem:v63+s20+$0x0] =	vst.idx.msk vm0, v3  }
.LBB2_22:
0xf2: {  	s0 =	sshll.u32 @!p5 s12, $0x5  }
0xf3: {  	s0 =	sand.u32 @!p5 $0x3F00, s0  }
.Ltmp15:
0xf4: {  	s5 =	simm.s32 @!p5 $0x1B700;
	s0 =	sadd.s32 @!p5 s0, s9;
	(pc) =	sbr.rel @p3 .LBB2_25-.Ltmp15, $4  }
0xf5: {  	[tilespmem:s5], [sflag:$0x3] =	stream.strided.gather @!p5 [hbm4b:s0+s25], $0x100, s16, s25, $0x38;
	[tilespmem:$0x1D800] =	vst v63  }
0xf6: {  	_ =	swait.ge [sflag:s22], $0xC300  }
0xf7: {  	[sflag:s22] =	ssyncset.done $0x0  }
0xf8: {  	[sflag:s22] =	ssyncadd.s32 $0xFFFF3D00  }
0xf9: {  	v3 =	vld [tilespmem:s1+$0x0];
	v4 =	vor.u32 s11, v0  }
0xfa: {  	vm0 =	vge.s32 v4, v1;
	vm1 =	vlt.s32 v4, v2  }
0xfb: {  	vm0 =	vmand vm0, vm1;
	_ =	sdelay $0x2  }
0xfc: {  	v63 =	vld [tilespmem:s8+$0x0];
	_ =	sdelay $0x1  }
0xfd: {  	s0 =	sadd.s32 $0x1, s28  }
0xfe: {  	p0 =	slt.s32 s0, s29;
	v3 =	vld.idx.msk [tilespmem:v3+s17+$0x0], vm0  }
.Ltmp16:
0xff: {  	_ = 	snop;
	(pc) =	sbr.rel @!p0 .LBB2_25-.Ltmp16, $2  }
0x100: {  	_ =	sdelay $0x2  }
0x101: {  	s13 =	sadd.s32 $0x10, s1;
	s14 =	sadd.s32 $0x10, s11;
	s5 =	smov.u32 s8;
	[tilespmem:v63+s20+$0x0] =	vst.idx.msk vm0, v3  }
.LBB2_24:
0x102: {  	v3 =	vld [tilespmem:s13+$0x0];
	v4 =	vor.u32 s14, v0;
	s0 =	sadd.s32 $0x1, s0  }
0x103: {  	vm0 =	vge.s32 v4, v1;
	vm1 =	vlt.s32 v4, v2;
	p0 =	slt.s32 s0, s29  }
0x104: {  	vm0 =	vmand vm0, vm1;
	_ =	sdelay $0x2  }
0x105: {  	s5 =	sadd.s32 $0x10, s5  }
0x106: {  	v4 =	vld [tilespmem:s5+$0x0];
	_ =	sdelay $0x1  }
0x107: {  	v3 =	vld.idx.msk [tilespmem:v3+s17+$0x0], vm0;
	_ =	sdelay $0x1  }
.Ltmp17:
0x108: {  	(pc) =	sbr.rel @p0 .LBB2_24-.Ltmp17, $2  }
0x109: {  	_ =	sdelay $0x2  }
0x10a: {  	s13 =	sadd.s32 $0x10, s13;
	s14 =	sadd.s32 $0x10, s14;
	[tilespmem:v4+s20+$0x0] =	vst.idx.msk vm0, v3  }
.LBB2_25:
0x10b: {  	s0 =	sadd.s32 @!p5 $0xC300, s4;
	s4 =	simm.s32 @!p5 $0x80  }
0x10c: {  	s5 =	simm.s32 @!p5 $0x400;
	s13 =	simm.s32 @!p5 $0xF400;
	s14 =	sshll.u32 s24, $0x9  }
0x10d: {  	[tilespmem:s13], [sflag:$0x2] =	stream.strided.gather @!p5 [hbm4b:s0+s4], $0xC300, s5, s4, $0x38;
	[tilespmem:$0x1D800] =	vst v63  }
0x10e: {  	s0 =	sand.u32 $0x3B000, s14  }
0x10f: {  	s16 =	simm.s32 $0x80;
	s25 =	simm.s32 $0x400;
	s0 =	sadd.s32 s0, s10  }
0x110: {  	[hbm4b:s0+s16] =	stream.strided.scatter [tilespmem:s20], [sflag:$0x4], $0x1000, s25, s16, $0x38;
	[tilespmem:$0x1D800] =	vst v63  }
.Ltmp18:
0x111: {  	_ = 	snop;
	(pc) =	sbr.rel @p5 .LBB2_44-.Ltmp18, $4  }
0x112: {  	s0 =	simm.s32 @!p4 $0x5  }
0x113: {  	_ =	swait.ge @!p4 [sflag:s0], $0x1000  }
0x114: {  	[sflag:s0] =	ssyncset.done @!p4 $0x0  }
0x115: {  	[sflag:s0] =	ssyncadd.s32 @!p4 $0xFFFFF000  }
.Ltmp19:
0x116: {  	(pc) =	sbr.rel @p1 .LBB2_33-.Ltmp19, $4  }
0x117: {  	_ = 	snop  }
0x118: {  	_ =	swait.ge [sflag:s19], $0xC300  }
0x119: {  	[sflag:s19] =	ssyncset.done $0x0  }
0x11a: {  	[sflag:s19] =	ssyncadd.s32 $0xFFFF3D00  }
0x11b: {  	p0 =	sne.s32 s26, $0x1  }
.Ltmp20:
0x11c: {  	_ = 	snop;
	(pc) =	sbr.rel @!p0 .LBB2_28-.Ltmp20, $3  }
0x11d: {  	_ =	sdelay $0x1  }
0x11e: {  	s0 =	simm.s32 $0x1000;
	s4 =	simm.s32 $0x2080  }
0x11f: {  	s16 =	simm.s32 $0x0;
	p4 =	por $0x0, $0x0;
	v3 =	vld [tilespmem:s0+$0x0];
	s0 =	sadd.s32 $0xFFFFFFFF, s26  }
0x120: {  	_ = 	snop  }
0x121: {  	v4 =	vor.u32 s16, v0  }
0x122: {  	vm0 =	vlt.s32 v4, v1;
	_ =	sdelay $0x2  }
0x123: {  	v4 =	vld [tilespmem:s4+$0x0];
	_ =	sdelay $0x2  }
0x124: {  	v3 =	vld.idx.msk [tilespmem:v3+s15+$0x0], vm0  }
0x125: {  	p0 =	sne.s32 s0, $0x1  }
.Ltmp21:
0x126: {  	_ = 	snop;
	(pc) =	sbr.rel @!p0 .LBB2_30-.Ltmp21, $3  }
0x127: {  	_ =	sdelay $0x1  }
0x128: {  	s13 =	simm.s32 $0x1010;
	s5 =	sadd.s32 $0xFFFFFFFF, s0;
	[tilespmem:v4+s23+$0x0] =	vst.idx.msk vm0, v3  }
0x129: {  	s16 =	simm.s32 $0x10;
	p4 =	por $0x1, $0x1;
	s0 =	simm.s32 $0x2080;
	v3 =	vld [tilespmem:s13+$0x0]  }
.LBB2_31:
0x12a: {  	p0 =	sne.s32 s5, $0x1;
	v4 =	vor.u32 s16, v0  }
0x12b: {  	vm0 =	vlt.s32 v4, v1;
	_ =	sdelay $0x2  }
0x12c: {  	s0 =	sadd.s32 $0x10, s0  }
0x12d: {  	v4 =	vld [tilespmem:s0+$0x0];
	_ =	sdelay $0x1  }
0x12e: {  	v3 =	vld.idx.msk [tilespmem:v3+s15+$0x0], vm0;
	_ =	sdelay $0x2  }
.Ltmp22:
0x12f: {  	(pc) =	sbr.rel @p0 .LBB2_31-.Ltmp22, $3  }
0x130: {  	_ =	sdelay $0x1  }
0x131: {  	s13 =	sadd.s32 $0x10, s13;
	[tilespmem:v4+s23+$0x0] =	vst.idx.msk vm0, v3  }
0x132: {  	s5 =	sadd.s32 $0xFFFFFFFF, s5;
	s16 =	sadd.s32 $0x10, s16;
	v3 =	vld [tilespmem:s13+$0x0]  }
.LBB2_32:
0x133: {  	_ = 	snop  }
0x134: {  	v4 =	vor.u32 s16, v0  }
0x135: {  	vm0 =	vlt.s32 v4, v1  }
0x136: {  	s0 =	sadd.s32 @p4 $0x10, s0  }
0x137: {  	s4 =	smov.u32 @p4 s0  }
0x138: {  	v63 =	vld [tilespmem:s4+$0x0];
	_ =	sdelay $0x2  }
0x139: {  	v3 =	vld.idx.msk [tilespmem:v3+s15+$0x0], vm0;
	_ =	sdelay $0x4  }
0x13a: {  	[tilespmem:v63+s23+$0x0] =	vst.idx.msk vm0, v3  }
.LBB2_33:
0x13b: {  	s25 =	sadd.s32 $0x40, s24;
	p4 =	sgt.u32 s24, $0xEB  }
0x13c: {  	s0 =	sshrl.u32 @!p4 s25, $0x3  }
0x13d: {  	s0 =	smul.u32 @!p4 $0xC3800, s0;
	_ =	sdelay $0x1  }
0x13e: {  	s4 =	rddreg [dreg:$0x1];
	s0 =	sor.u32 @!p4 s6, s0  }
0x13f: {  	s24 =	simm.s32 @!p4 $0x80;
	s16 =	simm.s32 @!p4 $0x400;
	s0 =	sshrl.u32 @!p4 s0, $0x3  }
.Ltmp23:
0x140: {  	s4 =	sadd.s32 @!p4 s4, s0;
	s0 =	simm.s32 @!p4 $0x3100;
	(pc) =	sbr.rel @p2 .LBB2_40-.Ltmp23, $4  }
0x141: {  	[tilespmem:s0], [sflag:$0x1] =	stream.strided.gather @!p4 [hbm4b:s4+s24], $0xC300, s16, s24, $0x38;
	[tilespmem:$0x1D800] =	vst v63  }
0x142: {  	_ =	swait.ge [sflag:s21], $0x100  }
0x143: {  	[sflag:s21] =	ssyncset.done $0x0  }
0x144: {  	[sflag:s21] =	ssyncadd.s32 $0xFFFFFF00  }
0x145: {  	p0 =	sne.s32 s30, $0x1  }
.Ltmp24:
0x146: {  	_ = 	snop;
	(pc) =	sbr.rel @!p0 .LBB2_35-.Ltmp24, $2  }
0x147: {  	_ =	sdelay $0x2  }
0x148: {  	v3 =	vld [tilespmem:s31+$0x0];
	v4 =	vor.u32 s3, v0;
	s0 =	sadd.s32 $0xFFFFFFFF, s30;
	p5 =	por $0x0, $0x0  }
0x149: {  	_ = 	snop  }
0x14a: {  	vm0 =	vge.s32 v4, v2;
	vm1 =	vlt.s32 v4, $0x1000  }
0x14b: {  	vm0 =	vmand vm0, vm1;
	_ =	sdelay $0x2  }
0x14c: {  	v4 =	vld [tilespmem:s2+$0x0];
	_ =	sdelay $0x2  }
0x14d: {  	v3 =	vld.idx.msk [tilespmem:v3+s18+$0x0], vm0  }
0x14e: {  	p0 =	sne.s32 s0, $0x1  }
.Ltmp25:
0x14f: {  	_ = 	snop;
	(pc) =	sbr.rel @!p0 .LBB2_37-.Ltmp25, $3  }
0x150: {  	_ =	sdelay $0x1  }
0x151: {  	s13 =	sadd.s32 $0x10, s31;
	s14 =	sadd.s32 $0x10, s3;
	[tilespmem:v4+s23+$0x0] =	vst.idx.msk vm0, v3  }
0x152: {  	s5 =	sadd.s32 $0xFFFFFFFF, s0;
	p5 =	por $0x1, $0x1;
	s0 =	smov.u32 s2;
	v4 =	vor.u32 s14, v0;
	v3 =	vld [tilespmem:s13+$0x0]  }
.LBB2_38:
0x153: {  	p0 =	sne.s32 s5, $0x1;
	vm0 =	vge.s32 v4, v2;
	vm1 =	vlt.s32 v4, $0x1000  }
0x154: {  	vm0 =	vmand vm0, vm1;
	_ =	sdelay $0x2  }
0x155: {  	s0 =	sadd.s32 $0x10, s0  }
0x156: {  	v4 =	vld [tilespmem:s0+$0x0];
	_ =	sdelay $0x1  }
0x157: {  	v3 =	vld.idx.msk [tilespmem:v3+s18+$0x0], vm0;
	_ =	sdelay $0x2  }
.Ltmp26:
0x158: {  	(pc) =	sbr.rel @p0 .LBB2_38-.Ltmp26, $3  }
0x159: {  	_ =	sdelay $0x1  }
0x15a: {  	s13 =	sadd.s32 $0x10, s13;
	s14 =	sadd.s32 $0x10, s14;
	[tilespmem:v4+s23+$0x0] =	vst.idx.msk vm0, v3  }
0x15b: {  	s5 =	sadd.s32 $0xFFFFFFFF, s5;
	v4 =	vor.u32 s14, v0;
	v3 =	vld [tilespmem:s13+$0x0]  }
.LBB2_39:
0x15c: {  	_ = 	snop  }
0x15d: {  	vm0 =	vge.s32 v4, v2;
	vm1 =	vlt.s32 v4, $0x1000  }
0x15e: {  	vm0 =	vmand vm0, vm1  }
0x15f: {  	s0 =	sadd.s32 @p5 $0x10, s0;
	s5 =	smov.u32 s2  }
0x160: {  	s5 =	smov.u32 @p5 s0  }
0x161: {  	v63 =	vld [tilespmem:s5+$0x0];
	_ =	sdelay $0x2  }
0x162: {  	v3 =	vld.idx.msk [tilespmem:v3+s18+$0x0], vm0;
	_ =	sdelay $0x4  }
0x163: {  	[tilespmem:v63+s23+$0x0] =	vst.idx.msk vm0, v3  }
.LBB2_40:
0x164: {  	s0 =	sshll.u32 @!p4 s25, $0x5  }
0x165: {  	s0 =	sand.u32 @!p4 $0x3F00, s0  }
.Ltmp27:
0x166: {  	s5 =	simm.s32 @!p4 $0x1B700;
	s0 =	sadd.s32 @!p4 s0, s9;
	(pc) =	sbr.rel @p3 .LBB2_43-.Ltmp27, $4  }
0x167: {  	[tilespmem:s5], [sflag:$0x3] =	stream.strided.gather @!p4 [hbm4b:s0+s24], $0x100, s16, s24, $0x38;
	[tilespmem:$0x1D800] =	vst v63  }
0x168: {  	_ =	swait.ge [sflag:s22], $0xC300  }
0x169: {  	[sflag:s22] =	ssyncset.done $0x0  }
0x16a: {  	[sflag:s22] =	ssyncadd.s32 $0xFFFF3D00  }
0x16b: {  	v3 =	vld [tilespmem:s1+$0x0];
	v4 =	vor.u32 s11, v0  }
0x16c: {  	vm0 =	vge.s32 v4, v1;
	vm1 =	vlt.s32 v4, v2  }
0x16d: {  	vm0 =	vmand vm0, vm1;
	_ =	sdelay $0x2  }
0x16e: {  	v63 =	vld [tilespmem:s8+$0x0];
	_ =	sdelay $0x1  }
0x16f: {  	s0 =	sadd.s32 $0x1, s28  }
0x170: {  	p0 =	slt.s32 s0, s29;
	v3 =	vld.idx.msk [tilespmem:v3+s17+$0x0], vm0  }
.Ltmp28:
0x171: {  	_ = 	snop;
	(pc) =	sbr.rel @!p0 .LBB2_43-.Ltmp28, $2  }
0x172: {  	_ =	sdelay $0x2  }
0x173: {  	s13 =	sadd.s32 $0x10, s1;
	s14 =	sadd.s32 $0x10, s11;
	s5 =	smov.u32 s8;
	[tilespmem:v63+s23+$0x0] =	vst.idx.msk vm0, v3  }
.LBB2_42:
0x174: {  	v3 =	vld [tilespmem:s13+$0x0];
	v4 =	vor.u32 s14, v0;
	s0 =	sadd.s32 $0x1, s0  }
0x175: {  	vm0 =	vge.s32 v4, v1;
	vm1 =	vlt.s32 v4, v2;
	p0 =	slt.s32 s0, s29  }
0x176: {  	vm0 =	vmand vm0, vm1;
	_ =	sdelay $0x2  }
0x177: {  	s5 =	sadd.s32 $0x10, s5  }
0x178: {  	v4 =	vld [tilespmem:s5+$0x0];
	_ =	sdelay $0x1  }
0x179: {  	v3 =	vld.idx.msk [tilespmem:v3+s17+$0x0], vm0;
	_ =	sdelay $0x1  }
.Ltmp29:
0x17a: {  	(pc) =	sbr.rel @p0 .LBB2_42-.Ltmp29, $2  }
0x17b: {  	_ =	sdelay $0x2  }
0x17c: {  	s13 =	sadd.s32 $0x10, s13;
	s14 =	sadd.s32 $0x10, s14;
	[tilespmem:v4+s23+$0x0] =	vst.idx.msk vm0, v3  }
.Ltmp30:
0x17d: {  	_ = 	snop;
	(pc) =	sbr.rel .LBB2_43-.Ltmp30, $1  }
0x17e: {  	_ =	sdelay $0x3  }
.LBB2_10:
.Ltmp31:
0x17f: {  	(pc) =	sbr.rel .LBB2_14-.Ltmp31, $2  }
0x180: {  	_ =	sdelay $0x2  }
0x181: {  	s0 =	simm.s32 $0x0;
	s12 =	simm.s32 $0x2080  }
.LBB2_12:
.Ltmp32:
0x182: {  	(pc) =	sbr.rel .LBB2_14-.Ltmp32, $2  }
0x183: {  	_ =	sdelay $0x2  }
0x184: {  	s12 =	simm.s32 $0x2080  }
.LBB2_17:
.Ltmp33:
0x185: {  	(pc) =	sbr.rel .LBB2_21-.Ltmp33, $2  }
0x186: {  	_ =	sdelay $0x2  }
0x187: {  	s0 =	smov.u32 s2  }
.LBB2_19:
.Ltmp34:
0x188: {  	(pc) =	sbr.rel .LBB2_21-.Ltmp34, $2  }
0x189: {  	_ =	sdelay $0x2  }
0x18a: {  	s0 =	smov.u32 s2  }
.LBB2_28:
.Ltmp35:
0x18b: {  	(pc) =	sbr.rel .LBB2_32-.Ltmp35, $2  }
0x18c: {  	_ =	sdelay $0x2  }
0x18d: {  	s0 =	simm.s32 $0x2080  }
.LBB2_30:
.Ltmp36:
0x18e: {  	(pc) =	sbr.rel .LBB2_32-.Ltmp36, $2  }
0x18f: {  	_ =	sdelay $0x2  }
0x190: {  	s0 =	simm.s32 $0x2080  }
.LBB2_35:
.Ltmp37:
0x191: {  	(pc) =	sbr.rel .LBB2_39-.Ltmp37, $2  }
0x192: {  	_ =	sdelay $0x2  }
0x193: {  	s0 =	smov.u32 s2  }
.LBB2_37:
.Ltmp38:
0x194: {  	(pc) =	sbr.rel .LBB2_39-.Ltmp38, $2  }
0x195: {  	_ =	sdelay $0x2  }
0x196: {  	s0 =	smov.u32 s2  }
.LBB2_46:
0x197: {  	_ =	sfence.sel $0x180000  }
0x198: {  	[bflag:$0x0] =	sbarrier.arrive $0xFFFF  }
0x199: {  	_ =	strace $0x90000047  }
0x19a: {  	s0 =	stileid.u32;
	[bflag:$0x2] =	sbarrier.arrive $0xFFFF  }
0x19b: {  	p0 =	sne.s32 s0, $0x0;
	s0 =	rddreg [dreg:$0x4]  }
0x19c: {  	s0 =	sadd.s32 @!p0 $0x100000, s0  }
0x19d: {  	[sflag:s0] =	ssyncadd.tile.s32 @!p0 $0x1;
	_ =	shalt  }
.Lfunc_end2:
_tile_overlayer_lowered:
.L_overlay_start_2:
0x19e: {  	(tag) =	ssettag $0x2  }
0x19f: {  	s0 =	rddreg [dreg:$0x0];
	s2 =	stileid.u32  }
0x1a0: {  	s1 =	rddreg [dreg:$0x1];
	p0 =	sne.s32 s2, $0x0  }
0x1a1: {  	s3 =	rddreg [dreg:$0x2];
	[bflag:$0x3] =	sbarrier.arrive $0xFFFF;
	s2 =	simm.s32 @!p0 $0x1C06  }
0x1a2: {  	[timem:s3], [sflag:s2] =	dma.local @!p0 [hbm:s0], s1  }
0x1a3: {  	s0 =	simm.s32 @!p0 $0x6  }
0x1a4: {  	_ =	swait.ge @!p0 [sflag:s0], s1  }
0x1a5: {  	s1 =	ssub.s32 @!p0 $0x0, s1;
	[sflag:s0] =	ssyncset.done @!p0 $0x0  }
0x1a6: {  	[sflag:s0] =	ssyncadd.s32 @!p0 s1  }
0x1a7: {  	[bflag:$0x3] =	sbarrier.arrive $0xFFFF  }
0x1a8: {  	_ =	shalt  }

</sc_bundles>
